<compile_context>
chip_gen: v7x
topology: tpu7x:2x2x1
jax: 0.10.2.dev20260603
libtpu: 0.0.44.dev20260713+nightly
codegen_flags: <defaults>
</compile_context>

<pallas_src>
import functools

import jax
import jax.numpy as jnp
from jax import lax
from jax.experimental import pallas as pl
from jax.experimental.pallas import tpu as pltpu
from jax.experimental.pallas import tpu_sc as plsc

B, N, S, DF = 16, 1024, 256, 256
NC, NS = 2, 16
NW = NC * NS
RPW = (B * N) // NW
CH = 64
NCH = RPW // CH
NBUF = 2


def _top3_body(x1_ref, x2_ref, out_ref):
    b = pl.program_id(0)
    x1t = x1_ref[0]
    x2 = x2_ref[0]
    d2 = jnp.zeros((S, N), jnp.float32)
    for c in range(3):
        diff = x2[:, c:c + 1] - x1t[c:c + 1, :]
        d2 = d2 + diff * diff
    dist = jnp.sqrt(jnp.maximum(d2, 0.0))
    iota = lax.broadcasted_iota(jnp.int32, (S, N), 0)
    base = b * S
    for k in range(3):
        m = jnp.min(dist, axis=0, keepdims=True)
        am = jnp.min(jnp.where(dist == m, iota, S), axis=0, keepdims=True)
        out_ref[0, pl.ds(k, 1), :] = (base + am) * 3 + k
        dist = jnp.where(iota == am, jnp.float32(jnp.inf), dist)


def _top3_indices(xyz1, xyz2):
    return pl.pallas_call(
        _top3_body,
        grid=(B,),
        in_specs=[
            pl.BlockSpec((1, 3, N), lambda b: (b, 0, 0)),
            pl.BlockSpec((1, S, 3), lambda b: (b, 0, 0)),
        ],
        out_specs=pl.BlockSpec((1, 3, N), lambda b: (b, 0, 0)),
        out_shape=jax.ShapeDtypeStruct((B, 3, N), jnp.int32),
    )(jnp.transpose(xyz1, (0, 2, 1)), xyz2)


def _sc_interp_body(table_hbm, fidx_hbm, out_hbm, idx_v, bufs,
                    gsem0, gsem1, ssem0, ssem1):
    gsems = (gsem0, gsem1)
    ssems = (ssem0, ssem1)
    wid = lax.axis_index("s") * NC + lax.axis_index("c")
    base = wid * RPW
    b_w = wid // 2
    noff = (wid % 2) * RPW
    for k in range(3):
        pltpu.sync_copy(
            fidx_hbm.at[pl.ds(b_w, 1), pl.ds(k, 1), pl.ds(noff, RPW)],
            idx_v.at[pl.ds(k, 1)])

    def gather(c, p):
        for k in range(3):
            pltpu.async_copy(
                table_hbm.at[idx_v.at[k, 0, pl.ds(c * CH, CH)]],
                bufs.at[p, k], gsems[p])

    def drain_gather(p):
        for k in range(3):
            pltpu.make_async_copy(
                table_hbm.at[pl.ds(0, CH)], bufs.at[p, k], gsems[p]).wait()

    def store(c, p):
        for k in range(3):
            pltpu.async_copy(
                bufs.at[p, k],
                out_hbm.at[k, pl.ds(base + c * CH, CH)], ssems[p])

    def drain_store(p):
        for k in range(3):
            pltpu.make_async_copy(
                bufs.at[p, k], out_hbm.at[0, pl.ds(0, CH)],
                ssems[p]).wait()

    for c in range(NBUF - 1):
        gather(c, c)

    def ring(g, carry):
        cbase = NBUF * g
        for p in range(NBUF):
            c = cbase + p
            pn = (p + NBUF - 1) % NBUF

            @pl.when(c + NBUF - 1 < NCH)
            def _():
                @pl.when(c - 1 >= 0)
                def _():
                    drain_store(pn)

                gather(c + NBUF - 1, pn)

            drain_gather(p)
            store(c, p)
        return carry

    lax.fori_loop(0, NCH // NBUF, ring, 0)
    for p in range(NBUF):
        drain_store(p)


@functools.cache
def _sc_interp_kernel():
    mesh = plsc.VectorSubcoreMesh(
        core_axis_name="c", subcore_axis_name="s", num_cores=NC)
    return pl.kernel(
        _sc_interp_body,
        mesh=mesh,
        out_type=jax.ShapeDtypeStruct((3, B * N, DF // 2), jnp.int32),
        scratch_types=[
            pltpu.VMEM((3, 1, RPW), jnp.int32),
            pltpu.VMEM((NBUF, 3, CH, DF // 2), jnp.int32),
            pltpu.SemaphoreType.DMA,
            pltpu.SemaphoreType.DMA,
            pltpu.SemaphoreType.DMA,
            pltpu.SemaphoreType.DMA,
        ],
    )


def _final_body(w0_ref, w1_ref, w2_ref, b0_ref, b1_ref, b2_ref,
                f1_ref, interp_ref, out_ref, weff_ref, weffb_bf_ref,
                beff_ref):
    @pl.when(pl.program_id(0) == 0)
    def _():
        w21 = jnp.dot(w2_ref[...], w1_ref[...],
                      preferred_element_type=jnp.float32)
        weff = jnp.dot(w21, w0_ref[...], preferred_element_type=jnp.float32)
        weff_ref[...] = weff[:, :S]
        weffb_bf_ref[...] = (weff[:, S:] * jnp.float32(1.0 / 3.0)).astype(
            jnp.bfloat16)
        dn = (((1,), (1,)), ((), ()))
        beff_row = (
            lax.dot_general(b0_ref[...], w21, dn,
                            preferred_element_type=jnp.float32)
            + lax.dot_general(b1_ref[...], w2_ref[...], dn,
                              preferred_element_type=jnp.float32)
            + b2_ref[...])
        beff_ref[...] = beff_row.T

    def lo(x):
        return lax.bitcast_convert_type(x << 16, jnp.float32)

    def hi(x):
        return lax.bitcast_convert_type(x & jnp.int32(-65536), jnp.float32)

    x0, x1, x2 = interp_ref[0, 0], interp_ref[1, 0], interp_ref[2, 0]
    isum_lo = (lo(x0) + lo(x1) + lo(x2)).astype(jnp.bfloat16)
    isum_hi = (hi(x0) + hi(x1) + hi(x2)).astype(jnp.bfloat16)
    base = (
        jnp.dot(weff_ref[...], f1_ref[0], preferred_element_type=jnp.float32)
        + beff_ref[...])
    out_ref[0, :, :DF // 2] = base[:, :DF // 2] + jnp.dot(
        weffb_bf_ref[...], isum_lo, preferred_element_type=jnp.float32)
    out_ref[0, :, DF // 2:] = base[:, DF // 2:] + jnp.dot(
        weffb_bf_ref[...], isum_hi, preferred_element_type=jnp.float32)


def _final_matmul(W0, W1, W2, b0, b1, b2, features1, interp):
    return pl.pallas_call(
        _final_body,
        grid=(B,),
        in_specs=[
            pl.BlockSpec((512, 1280), lambda b: (0, 0)),
            pl.BlockSpec((512, 512), lambda b: (0, 0)),
            pl.BlockSpec((256, 512), lambda b: (0, 0)),
            pl.BlockSpec((1, 512), lambda b: (0, 0)),
            pl.BlockSpec((1, 512), lambda b: (0, 0)),
            pl.BlockSpec((1, 256), lambda b: (0, 0)),
            pl.BlockSpec((1, S, DF), lambda b: (b, 0, 0)),
            pl.BlockSpec((3, 1, N, DF // 2), lambda b: (0, b, 0, 0)),
        ],
        out_specs=pl.BlockSpec((1, 256, 256), lambda b: (b, 0, 0)),
        out_shape=jax.ShapeDtypeStruct((B, 256, 256), jnp.float32),
        scratch_shapes=[
            pltpu.VMEM((256, S), jnp.float32),
            pltpu.VMEM((256, N), jnp.bfloat16),
            pltpu.VMEM((256, 1), jnp.float32),
        ],
    )(W0, W1, W2, b0.reshape(1, 512), b1.reshape(1, 512), b2.reshape(1, 256),
      features1, interp.reshape(3, B, N, DF // 2))


def kernel(xyz1, xyz2, features1, features2, W0, b0, W1, b1, W2, b2):
    fidx = _top3_indices(xyz1, xyz2)
    f2 = features2.reshape(B * S * 3, DF).astype(jnp.bfloat16)
    table = lax.bitcast_convert_type(
        jnp.stack([f2[:, :DF // 2], f2[:, DF // 2:]], axis=-1), jnp.int32)
    interp32 = _sc_interp_kernel()(table, fidx)
    return _final_matmul(W0, W1, W2, b0, b1, b2, features1, interp32)

# --- scband reference (transcript-rebuilt; emitter-appended) ---
"""Pipeline reference for scband-point-net-feature-propagation-42880953483444 (READ-ONLY COPY).

The authoritative reference and input builder live on the scoring server;
editing this copy changes nothing except your own understanding.
"""

import jax, jax.numpy as jnp
import numpy as np

B, N, S, DF = 16, 1024, 256, 256
MLP_DIMS = [1280, 512, 512, 256]

def setup_inputs(seed: int = 0):
    key = jax.random.key(seed)
    ks = jax.random.split(key, 4)
    inp = {
        "xyz1": jax.random.normal(ks[0], (B, N, 3), jnp.float32),
        "xyz2": jax.random.normal(ks[1], (B, S, 3), jnp.float32),
        "features1": jax.random.normal(ks[2], (B, S, DF), jnp.float32),
        "features2": jax.random.normal(ks[3], (B, S, 3, DF), jnp.float32),
    }
    for i in range(3):
        fan_in = MLP_DIMS[i]
        bound = 1.0 / np.sqrt(fan_in)
        kw = jax.random.fold_in(key, 100 + i)
        kb = jax.random.fold_in(key, 200 + i)
        inp[f"W{i}"] = jax.random.uniform(kw, (MLP_DIMS[i + 1], MLP_DIMS[i]), jnp.float32, -bound, bound)
        inp[f"b{i}"] = jax.random.uniform(kb, (MLP_DIMS[i + 1],), jnp.float32, -bound, bound)
    return inp

def reference(xyz1, xyz2, features1, features2, W0, b0, W1, b1, W2, b2):
    # dists = torch.cdist(xyz1, xyz2) -> [B, N, S]
    diff = xyz1[:, :, None, :] - xyz2[:, None, :, :]
    dists = jnp.sqrt(jnp.maximum(jnp.sum(diff * diff, axis=-1), 0.0))
    # idx = dists.argsort(-1)[:, :, :3] -> [B, N, 3]
    idx = jnp.argsort(dists, axis=-1)[:, :, :3]
    # torch gather(dim=1): out[b,n,k,d] = features2[b, idx[b,n,k], k, d]
    df = features2.shape[-1]
    gidx = jnp.broadcast_to(idx[..., None], idx.shape + (df,))
    interpolated = jnp.take_along_axis(features2, gidx, axis=1).mean(axis=2)  # [B, N, DF]
    new_features = jnp.concatenate([features1, interpolated], axis=1)  # [B, S+N, DF]
    # nn.Sequential of Conv1d(k=1) layers, no activations
    y = new_features
    for W, b in ((W0, b0), (W1, b1), (W2, b2)):
        y = jnp.einsum('oc,bcl->bol', W, y) + b[None, :, None]
    return y

if __name__ == "__main__":
    import jax
    _d = setup_inputs()
    print(jax.jit(kernel)(*tuple(_d.values())))

</pallas_src>

<mosaic_0001>
#map = affine_map<(d0, d1) -> (0, 0)>
#map1 = affine_map<(d0, d1) -> (0, 0, 0)>
module attributes {stable_mosaic.version = 14 : i64} {
  func.func @_sc_interp_body(%arg0: i32, %arg1: i32, %arg2: memref<12288x128xi32, #tpu.memory_space<hbm>>, %arg3: memref<16x3x1024xi32, #tpu.memory_space<hbm>>, %arg4: memref<3x16384x128xi32, #tpu.memory_space<hbm>>, %arg5: memref<3x1x512xi32, #tpu.memory_space<vmem>>, %arg6: memref<2x3x64x128xi32, #tpu.memory_space<vmem>>, %arg7: memref<!tpu.dma_semaphore, #tpu.memory_space<semaphore_mem>>, %arg8: memref<!tpu.dma_semaphore, #tpu.memory_space<semaphore_mem>>, %arg9: memref<!tpu.dma_semaphore, #tpu.memory_space<semaphore_mem>>, %arg10: memref<!tpu.dma_semaphore, #tpu.memory_space<semaphore_mem>>) attributes {dimension_semantics = [#tpu.dimension_semantics<core_parallel>, #tpu.dimension_semantics<subcore_parallel>], iteration_bounds = array<i64: 2, 16>, scalar_prefetch = 0 : i64, scratch_operands = 6 : i64, tpu.core_type = #tpu.core_type<sc_vector_subcore>, window_params = [{transform_indices = #map}, {transform_indices = #map1}, {transform_indices = #map1}]} {
    %mul3A = arith.constant 2 : i32
    %mul3A_0 = arith.muli %arg1, %mul3A : i32
    %add3A = arith.addi %mul3A_0, %arg0 : i32
    %mul3A_1 = arith.constant 512 : i32
    %mul3A_2 = arith.muli %add3A, %mul3A_1 : i32
    %jit3A = arith.constant 2 : i32
    %div3A = arith.divsi %add3A, %jit3A : i32
    %sign3A = arith.constant 0 : i32
    %sign3A_3 = arith.cmpi sgt, %add3A, %sign3A : i32
    %sign3A_4 = arith.extui %sign3A_3 : i1 to i32
    %sign3A_5 = arith.constant 0 : i32
    %sign3A_6 = arith.cmpi slt, %add3A, %sign3A_5 : i32
    %sign3A_7 = arith.extui %sign3A_6 : i1 to i32
    %sign3A_8 = arith.subi %sign3A_4, %sign3A_7 : i32
    %sign3A_9 = arith.constant 0 : i32
    %sign3A_10 = arith.cmpi sgt, %jit3A, %sign3A_9 : i32
    %sign3A_11 = arith.extui %sign3A_10 : i1 to i32
    %sign3A_12 = arith.constant 0 : i32
    %sign3A_13 = arith.cmpi slt, %jit3A, %sign3A_12 : i32
    %sign3A_14 = arith.extui %sign3A_13 : i1 to i32
    %sign3A_15 = arith.subi %sign3A_11, %sign3A_14 : i32
    %ne3A = arith.cmpi ne, %sign3A_8, %sign3A_15 : i32
    %rem3A = arith.remsi %add3A, %jit3A : i32
    %ne3A_16 = arith.constant 0 : i32
    %ne3A_17 = arith.cmpi ne, %rem3A, %ne3A_16 : i32
    %and3A = arith.andi %ne3A, %ne3A_17 : i1
    %sub3A = arith.constant 1 : i32
    %sub3A_18 = arith.subi %div3A, %sub3A : i32
    %select_n3A = arith.select %and3A, %sub3A_18, %div3A : i32
    %jit3A_19 = arith.constant 2 : i32
    %eq3A = arith.constant 0 : i32
    %eq3A_20 = arith.cmpi eq, %jit3A_19, %eq3A : i32
    %jit3A_21 = arith.constant 1 : i32
    %select_n3A_22 = arith.select %eq3A_20, %jit3A_21, %jit3A_19 : i32
    %rem3A_23 = arith.remsi %add3A, %select_n3A_22 : i32
    %ne3A_24 = arith.constant 0 : i32
    %ne3A_25 = arith.cmpi ne, %rem3A_23, %ne3A_24 : i32
    %lt3A = arith.constant 0 : i32
    %lt3A_26 = arith.cmpi slt, %rem3A_23, %lt3A : i32
    %lt3A_27 = arith.constant 0 : i32
    %lt3A_28 = arith.cmpi slt, %select_n3A_22, %lt3A_27 : i32
    %ne3A_29 = arith.xori %lt3A_26, %lt3A_28 : i1
    %and3A_30 = arith.andi %ne3A_29, %ne3A_25 : i1
    %add3A_31 = arith.addi %rem3A_23, %select_n3A_22 : i32
    %select_n3A_32 = arith.select %and3A_30, %add3A_31, %rem3A_23 : i32
    %mul3A_33 = arith.constant 512 : i32
    %mul3A_34 = arith.muli %select_n3A_32, %mul3A_33 : i32
    "tpu.region"() ({
      %run_scoped3A = tpu.sem_alloc : memref<!tpu.dma_semaphore, #tpu.memory_space<semaphore_mem>>
      %dma_start3A_194 = arith.constant 0 : i32
      %dma_start3A_195 = arith.constant 0 : i32
      %dma_start3A_196 = arith.constant 0 : i32
      %dma_start3A_197 = tpu.memref_slice %arg5[%dma_start3A_194, %dma_start3A_195, %dma_start3A_196] : memref<3x1x512xi32, #tpu.memory_space<vmem>> -> memref<1x1x512xi32, #tpu.memory_space<vmem>>
      %dma_start3A_198 = arith.constant 0 : i32
      %dma_start3A_199 = tpu.memref_slice %arg3[%select_n3A, %dma_start3A_198, %mul3A_34] : memref<16x3x1024xi32, #tpu.memory_space<hbm>> -> memref<1x1x512xi32, #tpu.memory_space<hbm>>
      %dma_start3A_200 = arith.constant 0 : i32
      %dma_start3A_201 = arith.constant 0 : i32
      %dma_start3A_202 = arith.constant 0 : i32
      %dma_start3A_203 = tpu.memref_slice %arg5[%dma_start3A_200, %dma_start3A_201, %dma_start3A_202] : memref<3x1x512xi32, #tpu.memory_space<vmem>> -> memref<1x1x512xi32, #tpu.memory_space<vmem>>
      %dma_start3A_204 = arith.constant 0 : i32
      %dma_start3A_205 = tpu.memref_slice %arg3[%select_n3A, %dma_start3A_204, %mul3A_34] : memref<16x3x1024xi32, #tpu.memory_space<hbm>> -> memref<1x1x512xi32, #tpu.memory_space<hbm>>
      tpu.enqueue_dma source(%dma_start3A_205 : memref<1x1x512xi32, #tpu.memory_space<hbm>>) target(%dma_start3A_203 : memref<1x1x512xi32, #tpu.memory_space<vmem>>) target_semaphore(%run_scoped3A : memref<!tpu.dma_semaphore, #tpu.memory_space<semaphore_mem>>)
      %dma_wait3A_206 = arith.constant 0 : i32
      %dma_wait3A_207 = arith.constant 0 : i32
      %dma_wait3A_208 = arith.constant 0 : i32
      %dma_wait3A_209 = tpu.memref_slice %arg5[%dma_wait3A_206, %dma_wait3A_207, %dma_wait3A_208] : memref<3x1x512xi32, #tpu.memory_space<vmem>> -> memref<1x1x512xi32, #tpu.memory_space<vmem>>
      %dma_wait3A_210 = arith.constant 0 : i32
      %dma_wait3A_211 = tpu.memref_slice %arg3[%select_n3A, %dma_wait3A_210, %mul3A_34] : memref<16x3x1024xi32, #tpu.memory_space<hbm>> -> memref<1x1x512xi32, #tpu.memory_space<hbm>>
      %dma_wait3A_212 = arith.constant 0 : i32
      %dma_wait3A_213 = arith.constant 0 : i32
      %dma_wait3A_214 = arith.constant 0 : i32
      %dma_wait3A_215 = tpu.memref_slice %arg5[%dma_wait3A_212, %dma_wait3A_213, %dma_wait3A_214] : memref<3x1x512xi32, #tpu.memory_space<vmem>> -> memref<1x1x512xi32, #tpu.memory_space<vmem>>
      %dma_wait3A_216 = arith.constant 0 : i32
      %dma_wait3A_217 = tpu.memref_slice %arg3[%select_n3A, %dma_wait3A_216, %mul3A_34] : memref<16x3x1024xi32, #tpu.memory_space<hbm>> -> memref<1x1x512xi32, #tpu.memory_space<hbm>>
      tpu.wait_dma2 semaphore(%run_scoped3A : memref<!tpu.dma_semaphore, #tpu.memory_space<semaphore_mem>>) src(%dma_wait3A_217 : memref<1x1x512xi32, #tpu.memory_space<hbm>>) dst(%dma_wait3A_215 : memref<1x1x512xi32, #tpu.memory_space<vmem>>)
      tpu.yield
    }) : () -> ()
    "tpu.region"() ({
      %run_scoped3A = tpu.sem_alloc : memref<!tpu.dma_semaphore, #tpu.memory_space<semaphore_mem>>
      %dma_start3A_194 = arith.constant 1 : i32
      %dma_start3A_195 = arith.constant 0 : i32
      %dma_start3A_196 = arith.constant 0 : i32
      %dma_start3A_197 = tpu.memref_slice %arg5[%dma_start3A_194, %dma_start3A_195, %dma_start3A_196] : memref<3x1x512xi32, #tpu.memory_space<vmem>> -> memref<1x1x512xi32, #tpu.memory_space<vmem>>
      %dma_start3A_198 = arith.constant 1 : i32
      %dma_start3A_199 = tpu.memref_slice %arg3[%select_n3A, %dma_start3A_198, %mul3A_34] : memref<16x3x1024xi32, #tpu.memory_space<hbm>> -> memref<1x1x512xi32, #tpu.memory_space<hbm>>
      %dma_start3A_200 = arith.constant 1 : i32
      %dma_start3A_201 = arith.constant 0 : i32
      %dma_start3A_202 = arith.constant 0 : i32
      %dma_start3A_203 = tpu.memref_slice %arg5[%dma_start3A_200, %dma_start3A_201, %dma_start3A_202] : memref<3x1x512xi32, #tpu.memory_space<vmem>> -> memref<1x1x512xi32, #tpu.memory_space<vmem>>
      %dma_start3A_204 = arith.constant 1 : i32
      %dma_start3A_205 = tpu.memref_slice %arg3[%select_n3A, %dma_start3A_204, %mul3A_34] : memref<16x3x1024xi32, #tpu.memory_space<hbm>> -> memref<1x1x512xi32, #tpu.memory_space<hbm>>
      tpu.enqueue_dma source(%dma_start3A_205 : memref<1x1x512xi32, #tpu.memory_space<hbm>>) target(%dma_start3A_203 : memref<1x1x512xi32, #tpu.memory_space<vmem>>) target_semaphore(%run_scoped3A : memref<!tpu.dma_semaphore, #tpu.memory_space<semaphore_mem>>)
      %dma_wait3A_206 = arith.constant 1 : i32
      %dma_wait3A_207 = arith.constant 0 : i32
      %dma_wait3A_208 = arith.constant 0 : i32
      %dma_wait3A_209 = tpu.memref_slice %arg5[%dma_wait3A_206, %dma_wait3A_207, %dma_wait3A_208] : memref<3x1x512xi32, #tpu.memory_space<vmem>> -> memref<1x1x512xi32, #tpu.memory_space<vmem>>
      %dma_wait3A_210 = arith.constant 1 : i32
      %dma_wait3A_211 = tpu.memref_slice %arg3[%select_n3A, %dma_wait3A_210, %mul3A_34] : memref<16x3x1024xi32, #tpu.memory_space<hbm>> -> memref<1x1x512xi32, #tpu.memory_space<hbm>>
      %dma_wait3A_212 = arith.constant 1 : i32
      %dma_wait3A_213 = arith.constant 0 : i32
      %dma_wait3A_214 = arith.constant 0 : i32
      %dma_wait3A_215 = tpu.memref_slice %arg5[%dma_wait3A_212, %dma_wait3A_213, %dma_wait3A_214] : memref<3x1x512xi32, #tpu.memory_space<vmem>> -> memref<1x1x512xi32, #tpu.memory_space<vmem>>
      %dma_wait3A_216 = arith.constant 1 : i32
      %dma_wait3A_217 = tpu.memref_slice %arg3[%select_n3A, %dma_wait3A_216, %mul3A_34] : memref<16x3x1024xi32, #tpu.memory_space<hbm>> -> memref<1x1x512xi32, #tpu.memory_space<hbm>>
      tpu.wait_dma2 semaphore(%run_scoped3A : memref<!tpu.dma_semaphore, #tpu.memory_space<semaphore_mem>>) src(%dma_wait3A_217 : memref<1x1x512xi32, #tpu.memory_space<hbm>>) dst(%dma_wait3A_215 : memref<1x1x512xi32, #tpu.memory_space<vmem>>)
      tpu.yield
    }) : () -> ()
    "tpu.region"() ({
      %run_scoped3A = tpu.sem_alloc : memref<!tpu.dma_semaphore, #tpu.memory_space<semaphore_mem>>
      %dma_start3A_194 = arith.constant 2 : i32
      %dma_start3A_195 = arith.constant 0 : i32
      %dma_start3A_196 = arith.constant 0 : i32
      %dma_start3A_197 = tpu.memref_slice %arg5[%dma_start3A_194, %dma_start3A_195, %dma_start3A_196] : memref<3x1x512xi32, #tpu.memory_space<vmem>> -> memref<1x1x512xi32, #tpu.memory_space<vmem>>
      %dma_start3A_198 = arith.constant 2 : i32
      %dma_start3A_199 = tpu.memref_slice %arg3[%select_n3A, %dma_start3A_198, %mul3A_34] : memref<16x3x1024xi32, #tpu.memory_space<hbm>> -> memref<1x1x512xi32, #tpu.memory_space<hbm>>
      %dma_start3A_200 = arith.constant 2 : i32
      %dma_start3A_201 = arith.constant 0 : i32
      %dma_start3A_202 = arith.constant 0 : i32
      %dma_start3A_203 = tpu.memref_slice %arg5[%dma_start3A_200, %dma_start3A_201, %dma_start3A_202] : memref<3x1x512xi32, #tpu.memory_space<vmem>> -> memref<1x1x512xi32, #tpu.memory_space<vmem>>
      %dma_start3A_204 = arith.constant 2 : i32
      %dma_start3A_205 = tpu.memref_slice %arg3[%select_n3A, %dma_start3A_204, %mul3A_34] : memref<16x3x1024xi32, #tpu.memory_space<hbm>> -> memref<1x1x512xi32, #tpu.memory_space<hbm>>
      tpu.enqueue_dma source(%dma_start3A_205 : memref<1x1x512xi32, #tpu.memory_space<hbm>>) target(%dma_start3A_203 : memref<1x1x512xi32, #tpu.memory_space<vmem>>) target_semaphore(%run_scoped3A : memref<!tpu.dma_semaphore, #tpu.memory_space<semaphore_mem>>)
      %dma_wait3A_206 = arith.constant 2 : i32
      %dma_wait3A_207 = arith.constant 0 : i32
      %dma_wait3A_208 = arith.constant 0 : i32
      %dma_wait3A_209 = tpu.memref_slice %arg5[%dma_wait3A_206, %dma_wait3A_207, %dma_wait3A_208] : memref<3x1x512xi32, #tpu.memory_space<vmem>> -> memref<1x1x512xi32, #tpu.memory_space<vmem>>
      %dma_wait3A_210 = arith.constant 2 : i32
      %dma_wait3A_211 = tpu.memref_slice %arg3[%select_n3A, %dma_wait3A_210, %mul3A_34] : memref<16x3x1024xi32, #tpu.memory_space<hbm>> -> memref<1x1x512xi32, #tpu.memory_space<hbm>>
      %dma_wait3A_212 = arith.constant 2 : i32
      %dma_wait3A_213 = arith.constant 0 : i32
      %dma_wait3A_214 = arith.constant 0 : i32
      %dma_wait3A_215 = tpu.memref_slice %arg5[%dma_wait3A_212, %dma_wait3A_213, %dma_wait3A_214] : memref<3x1x512xi32, #tpu.memory_space<vmem>> -> memref<1x1x512xi32, #tpu.memory_space<vmem>>
      %dma_wait3A_216 = arith.constant 2 : i32
      %dma_wait3A_217 = tpu.memref_slice %arg3[%select_n3A, %dma_wait3A_216, %mul3A_34] : memref<16x3x1024xi32, #tpu.memory_space<hbm>> -> memref<1x1x512xi32, #tpu.memory_space<hbm>>
      tpu.wait_dma2 semaphore(%run_scoped3A : memref<!tpu.dma_semaphore, #tpu.memory_space<semaphore_mem>>) src(%dma_wait3A_217 : memref<1x1x512xi32, #tpu.memory_space<hbm>>) dst(%dma_wait3A_215 : memref<1x1x512xi32, #tpu.memory_space<vmem>>)
      tpu.yield
    }) : () -> ()
    %dma_start3A = arith.constant 0 : i32
    %dma_start3A_35 = arith.constant 0 : i32
    %dma_start3A_36 = arith.constant 0 : i32
    %dma_start3A_37 = arith.constant 0 : i32
    %dma_start3A_38 = arith.constant 0 : i32
    %dma_start3A_39 = arith.constant 0 : i32
    %dma_start3A_40 = tpu.memref_slice %arg6[%dma_start3A_36, %dma_start3A_37, %dma_start3A_38, %dma_start3A_39] : memref<2x3x64x128xi32, #tpu.memory_space<vmem>> -> memref<1x1x64x128xi32, #tpu.memory_space<vmem>>
    %dma_start3A_41 = tpu.memref_squeeze %dma_start3A_40 : memref<1x1x64x128xi32, #tpu.memory_space<vmem>> -> memref<64x128xi32, #tpu.memory_space<vmem>>
    %dma_start3A_42 = arith.constant 0 : i32
    %dma_start3A_43 = tpu.memref_slice %arg5[%dma_start3A, %dma_start3A_35, %dma_start3A_42] : memref<3x1x512xi32, #tpu.memory_space<vmem>> -> memref<1x1x64xi32, #tpu.memory_space<vmem>>
    %dma_start3A_44 = tpu.memref_squeeze %dma_start3A_43 : memref<1x1x64xi32, #tpu.memory_space<vmem>> -> memref<64xi32, #tpu.memory_space<vmem>>
    %dma_start3A_45 = arith.constant 0 : i32
    %dma_start3A_46 = arith.constant 0 : i32
    %dma_start3A_47 = tpu.memref_slice %arg2[%dma_start3A_45, %dma_start3A_46] : memref<12288x128xi32, #tpu.memory_space<hbm>> -> memref<12288x128xi32, #tpu.memory_space<hbm>>
    tpu.enqueue_indirect_dma source(%dma_start3A_47 : memref<12288x128xi32, #tpu.memory_space<hbm>>) target(%dma_start3A_41 : memref<64x128xi32, #tpu.memory_space<vmem>>) offsets(%dma_start3A_44 : memref<64xi32, #tpu.memory_space<vmem>>) semaphore(%arg7 : memref<!tpu.dma_semaphore, #tpu.memory_space<semaphore_mem>>)
    %dma_start3A_48 = arith.constant 1 : i32
    %dma_start3A_49 = arith.constant 0 : i32
    %dma_start3A_50 = arith.constant 0 : i32
    %dma_start3A_51 = arith.constant 1 : i32
    %dma_start3A_52 = arith.constant 0 : i32
    %dma_start3A_53 = arith.constant 0 : i32
    %dma_start3A_54 = tpu.memref_slice %arg6[%dma_start3A_50, %dma_start3A_51, %dma_start3A_52, %dma_start3A_53] : memref<2x3x64x128xi32, #tpu.memory_space<vmem>> -> memref<1x1x64x128xi32, #tpu.memory_space<vmem>>
    %dma_start3A_55 = tpu.memref_squeeze %dma_start3A_54 : memref<1x1x64x128xi32, #tpu.memory_space<vmem>> -> memref<64x128xi32, #tpu.memory_space<vmem>>
    %dma_start3A_56 = arith.constant 0 : i32
    %dma_start3A_57 = tpu.memref_slice %arg5[%dma_start3A_48, %dma_start3A_49, %dma_start3A_56] : memref<3x1x512xi32, #tpu.memory_space<vmem>> -> memref<1x1x64xi32, #tpu.memory_space<vmem>>
    %dma_start3A_58 = tpu.memref_squeeze %dma_start3A_57 : memref<1x1x64xi32, #tpu.memory_space<vmem>> -> memref<64xi32, #tpu.memory_space<vmem>>
    %dma_start3A_59 = arith.constant 0 : i32
    %dma_start3A_60 = arith.constant 0 : i32
    %dma_start3A_61 = tpu.memref_slice %arg2[%dma_start3A_59, %dma_start3A_60] : memref<12288x128xi32, #tpu.memory_space<hbm>> -> memref<12288x128xi32, #tpu.memory_space<hbm>>
    tpu.enqueue_indirect_dma source(%dma_start3A_61 : memref<12288x128xi32, #tpu.memory_space<hbm>>) target(%dma_start3A_55 : memref<64x128xi32, #tpu.memory_space<vmem>>) offsets(%dma_start3A_58 : memref<64xi32, #tpu.memory_space<vmem>>) semaphore(%arg7 : memref<!tpu.dma_semaphore, #tpu.memory_space<semaphore_mem>>)
    %dma_start3A_62 = arith.constant 2 : i32
    %dma_start3A_63 = arith.constant 0 : i32
    %dma_start3A_64 = arith.constant 0 : i32
    %dma_start3A_65 = arith.constant 2 : i32
    %dma_start3A_66 = arith.constant 0 : i32
    %dma_start3A_67 = arith.constant 0 : i32
    %dma_start3A_68 = tpu.memref_slice %arg6[%dma_start3A_64, %dma_start3A_65, %dma_start3A_66, %dma_start3A_67] : memref<2x3x64x128xi32, #tpu.memory_space<vmem>> -> memref<1x1x64x128xi32, #tpu.memory_space<vmem>>
    %dma_start3A_69 = tpu.memref_squeeze %dma_start3A_68 : memref<1x1x64x128xi32, #tpu.memory_space<vmem>> -> memref<64x128xi32, #tpu.memory_space<vmem>>
    %dma_start3A_70 = arith.constant 0 : i32
    %dma_start3A_71 = tpu.memref_slice %arg5[%dma_start3A_62, %dma_start3A_63, %dma_start3A_70] : memref<3x1x512xi32, #tpu.memory_space<vmem>> -> memref<1x1x64xi32, #tpu.memory_space<vmem>>
    %dma_start3A_72 = tpu.memref_squeeze %dma_start3A_71 : memref<1x1x64xi32, #tpu.memory_space<vmem>> -> memref<64xi32, #tpu.memory_space<vmem>>
    %dma_start3A_73 = arith.constant 0 : i32
    %dma_start3A_74 = arith.constant 0 : i32
    %dma_start3A_75 = tpu.memref_slice %arg2[%dma_start3A_73, %dma_start3A_74] : memref<12288x128xi32, #tpu.memory_space<hbm>> -> memref<12288x128xi32, #tpu.memory_space<hbm>>
    tpu.enqueue_indirect_dma source(%dma_start3A_75 : memref<12288x128xi32, #tpu.memory_space<hbm>>) target(%dma_start3A_69 : memref<64x128xi32, #tpu.memory_space<vmem>>) offsets(%dma_start3A_72 : memref<64xi32, #tpu.memory_space<vmem>>) semaphore(%arg7 : memref<!tpu.dma_semaphore, #tpu.memory_space<semaphore_mem>>)
    %scan3A = arith.constant 0 : i32
    %scan3A_76 = arith.constant 0 : i32
    %scan3A_77 = arith.constant 4 : i32
    %scan3A_78 = arith.addi %scan3A_76, %scan3A_77 : i32
    %scan3A_79 = arith.constant 1 : i32
    scf.for %scan3A_194 = %scan3A_76 to %scan3A_78 step %scan3A_79  : i32 {
      %mul3A_195 = arith.constant 2 : i32
      %mul3A_196 = arith.muli %mul3A_195, %scan3A_194 : i32
      %add3A_197 = arith.constant 0 : i32
      %add3A_198 = arith.addi %mul3A_196, %add3A_197 : i32
      %add3A_199 = arith.constant 2 : i32
      %add3A_200 = arith.addi %add3A_198, %add3A_199 : i32
      %sub3A_201 = arith.constant 1 : i32
      %sub3A_202 = arith.subi %add3A_200, %sub3A_201 : i32
      %lt3A_203 = arith.constant 8 : i32
      %lt3A_204 = arith.cmpi slt, %sub3A_202, %lt3A_203 : i32
      %convert_element_type3A = arith.extui %lt3A_204 : i1 to i32
      %cond3A = arith.constant 0 : i32
      %cond3A_205 = arith.cmpi ne, %convert_element_type3A, %cond3A : i32
      scf.if %cond3A_205 {
        %sub3A_433 = arith.constant 1 : i32
        %sub3A_434 = arith.subi %add3A_198, %sub3A_433 : i32
        %ge3A = arith.constant 0 : i32
        %ge3A_435 = arith.cmpi sge, %sub3A_434, %ge3A : i32
        %convert_element_type3A_436 = arith.extui %ge3A_435 : i1 to i32
        %cond3A_437 = arith.constant 0 : i32
        %cond3A_438 = arith.cmpi ne, %convert_element_type3A_436, %cond3A_437 : i32
        scf.if %cond3A_438 {
          %dma_wait3A_488 = arith.constant 1 : i32
          %dma_wait3A_489 = arith.constant 0 : i32
          %dma_wait3A_490 = arith.constant 0 : i32
          %dma_wait3A_491 = arith.constant 0 : i32
          %dma_wait3A_492 = arith.constant 0 : i32
          %dma_wait3A_493 = tpu.memref_slice %arg6[%dma_wait3A_488, %dma_wait3A_489, %dma_wait3A_491, %dma_wait3A_492] : memref<2x3x64x128xi32, #tpu.memory_space<vmem>> -> memref<1x1x64x128xi32, #tpu.memory_space<vmem>>
          %dma_wait3A_494 = tpu.memref_squeeze %dma_wait3A_493 : memref<1x1x64x128xi32, #tpu.memory_space<vmem>> -> memref<64x128xi32, #tpu.memory_space<vmem>>
          %dma_wait3A_495 = arith.constant 0 : i32
          %dma_wait3A_496 = arith.constant 0 : i32
          %dma_wait3A_497 = tpu.memref_slice %arg4[%dma_wait3A_490, %dma_wait3A_495, %dma_wait3A_496] : memref<3x16384x128xi32, #tpu.memory_space<hbm>> -> memref<1x64x128xi32, #tpu.memory_space<hbm>>
          %dma_wait3A_498 = tpu.memref_squeeze %dma_wait3A_497 : memref<1x64x128xi32, #tpu.memory_space<hbm>> -> memref<64x128xi32, #tpu.memory_space<hbm>>
          %dma_wait3A_499 = arith.constant 0 : i32
          %dma_wait3A_500 = arith.constant 0 : i32
          %dma_wait3A_501 = tpu.memref_slice %arg4[%dma_wait3A_490, %dma_wait3A_499, %dma_wait3A_500] : memref<3x16384x128xi32, #tpu.memory_space<hbm>> -> memref<1x64x128xi32, #tpu.memory_space<hbm>>
          %dma_wait3A_502 = tpu.memref_squeeze %dma_wait3A_501 : memref<1x64x128xi32, #tpu.memory_space<hbm>> -> memref<64x128xi32, #tpu.memory_space<hbm>>
          %dma_wait3A_503 = arith.constant 0 : i32
          %dma_wait3A_504 = arith.constant 0 : i32
          %dma_wait3A_505 = tpu.memref_slice %arg6[%dma_wait3A_488, %dma_wait3A_489, %dma_wait3A_503, %dma_wait3A_504] : memref<2x3x64x128xi32, #tpu.memory_space<vmem>> -> memref<1x1x64x128xi32, #tpu.memory_space<vmem>>
          %dma_wait3A_506 = tpu.memref_squeeze %dma_wait3A_505 : memref<1x1x64x128xi32, #tpu.memory_space<vmem>> -> memref<64x128xi32, #tpu.memory_space<vmem>>
          tpu.wait_dma2 semaphore(%arg10 : memref<!tpu.dma_semaphore, #tpu.memory_space<semaphore_mem>>) src(%dma_wait3A_506 : memref<64x128xi32, #tpu.memory_space<vmem>>) dst(%dma_wait3A_502 : memref<64x128xi32, #tpu.memory_space<hbm>>)
          %dma_wait3A_507 = arith.constant 1 : i32
          %dma_wait3A_508 = arith.constant 1 : i32
          %dma_wait3A_509 = arith.constant 0 : i32
          %dma_wait3A_510 = arith.constant 0 : i32
          %dma_wait3A_511 = arith.constant 0 : i32
          %dma_wait3A_512 = tpu.memref_slice %arg6[%dma_wait3A_507, %dma_wait3A_508, %dma_wait3A_510, %dma_wait3A_511] : memref<2x3x64x128xi32, #tpu.memory_space<vmem>> -> memref<1x1x64x128xi32, #tpu.memory_space<vmem>>
          %dma_wait3A_513 = tpu.memref_squeeze %dma_wait3A_512 : memref<1x1x64x128xi32, #tpu.memory_space<vmem>> -> memref<64x128xi32, #tpu.memory_space<vmem>>
          %dma_wait3A_514 = arith.constant 0 : i32
          %dma_wait3A_515 = arith.constant 0 : i32
          %dma_wait3A_516 = tpu.memref_slice %arg4[%dma_wait3A_509, %dma_wait3A_514, %dma_wait3A_515] : memref<3x16384x128xi32, #tpu.memory_space<hbm>> -> memref<1x64x128xi32, #tpu.memory_space<hbm>>
          %dma_wait3A_517 = tpu.memref_squeeze %dma_wait3A_516 : memref<1x64x128xi32, #tpu.memory_space<hbm>> -> memref<64x128xi32, #tpu.memory_space<hbm>>
          %dma_wait3A_518 = arith.constant 0 : i32
          %dma_wait3A_519 = arith.constant 0 : i32
          %dma_wait3A_520 = tpu.memref_slice %arg4[%dma_wait3A_509, %dma_wait3A_518, %dma_wait3A_519] : memref<3x16384x128xi32, #tpu.memory_space<hbm>> -> memref<1x64x128xi32, #tpu.memory_space<hbm>>
          %dma_wait3A_521 = tpu.memref_squeeze %dma_wait3A_520 : memref<1x64x128xi32, #tpu.memory_space<hbm>> -> memref<64x128xi32, #tpu.memory_space<hbm>>
          %dma_wait3A_522 = arith.constant 0 : i32
          %dma_wait3A_523 = arith.constant 0 : i32
          %dma_wait3A_524 = tpu.memref_slice %arg6[%dma_wait3A_507, %dma_wait3A_508, %dma_wait3A_522, %dma_wait3A_523] : memref<2x3x64x128xi32, #tpu.memory_space<vmem>> -> memref<1x1x64x128xi32, #tpu.memory_space<vmem>>
          %dma_wait3A_525 = tpu.memref_squeeze %dma_wait3A_524 : memref<1x1x64x128xi32, #tpu.memory_space<vmem>> -> memref<64x128xi32, #tpu.memory_space<vmem>>
          tpu.wait_dma2 semaphore(%arg10 : memref<!tpu.dma_semaphore, #tpu.memory_space<semaphore_mem>>) src(%dma_wait3A_525 : memref<64x128xi32, #tpu.memory_space<vmem>>) dst(%dma_wait3A_521 : memref<64x128xi32, #tpu.memory_space<hbm>>)
          %dma_wait3A_526 = arith.constant 1 : i32
          %dma_wait3A_527 = arith.constant 2 : i32
          %dma_wait3A_528 = arith.constant 0 : i32
          %dma_wait3A_529 = arith.constant 0 : i32
          %dma_wait3A_530 = arith.constant 0 : i32
          %dma_wait3A_531 = tpu.memref_slice %arg6[%dma_wait3A_526, %dma_wait3A_527, %dma_wait3A_529, %dma_wait3A_530] : memref<2x3x64x128xi32, #tpu.memory_space<vmem>> -> memref<1x1x64x128xi32, #tpu.memory_space<vmem>>
          %dma_wait3A_532 = tpu.memref_squeeze %dma_wait3A_531 : memref<1x1x64x128xi32, #tpu.memory_space<vmem>> -> memref<64x128xi32, #tpu.memory_space<vmem>>
          %dma_wait3A_533 = arith.constant 0 : i32
          %dma_wait3A_534 = arith.constant 0 : i32
          %dma_wait3A_535 = tpu.memref_slice %arg4[%dma_wait3A_528, %dma_wait3A_533, %dma_wait3A_534] : memref<3x16384x128xi32, #tpu.memory_space<hbm>> -> memref<1x64x128xi32, #tpu.memory_space<hbm>>
          %dma_wait3A_536 = tpu.memref_squeeze %dma_wait3A_535 : memref<1x64x128xi32, #tpu.memory_space<hbm>> -> memref<64x128xi32, #tpu.memory_space<hbm>>
          %dma_wait3A_537 = arith.constant 0 : i32
          %dma_wait3A_538 = arith.constant 0 : i32
          %dma_wait3A_539 = tpu.memref_slice %arg4[%dma_wait3A_528, %dma_wait3A_537, %dma_wait3A_538] : memref<3x16384x128xi32, #tpu.memory_space<hbm>> -> memref<1x64x128xi32, #tpu.memory_space<hbm>>
          %dma_wait3A_540 = tpu.memref_squeeze %dma_wait3A_539 : memref<1x64x128xi32, #tpu.memory_space<hbm>> -> memref<64x128xi32, #tpu.memory_space<hbm>>
          %dma_wait3A_541 = arith.constant 0 : i32
          %dma_wait3A_542 = arith.constant 0 : i32
          %dma_wait3A_543 = tpu.memref_slice %arg6[%dma_wait3A_526, %dma_wait3A_527, %dma_wait3A_541, %dma_wait3A_542] : memref<2x3x64x128xi32, #tpu.memory_space<vmem>> -> memref<1x1x64x128xi32, #tpu.memory_space<vmem>>
          %dma_wait3A_544 = tpu.memref_squeeze %dma_wait3A_543 : memref<1x1x64x128xi32, #tpu.memory_space<vmem>> -> memref<64x128xi32, #tpu.memory_space<vmem>>
          tpu.wait_dma2 semaphore(%arg10 : memref<!tpu.dma_semaphore, #tpu.memory_space<semaphore_mem>>) src(%dma_wait3A_544 : memref<64x128xi32, #tpu.memory_space<vmem>>) dst(%dma_wait3A_540 : memref<64x128xi32, #tpu.memory_space<hbm>>)
        } else {
        }
        %add3A_439 = arith.constant 2 : i32
        %add3A_440 = arith.addi %add3A_198, %add3A_439 : i32
        %sub3A_441 = arith.constant 1 : i32
        %sub3A_442 = arith.subi %add3A_440, %sub3A_441 : i32
        %mul3A_443 = arith.constant 64 : i32
        %mul3A_444 = arith.muli %sub3A_442, %mul3A_443 : i32
        %dma_start3A_445 = arith.constant 0 : i32
        %dma_start3A_446 = arith.constant 0 : i32
        %dma_start3A_447 = arith.constant 1 : i32
        %dma_start3A_448 = arith.constant 0 : i32
        %dma_start3A_449 = arith.constant 0 : i32
        %dma_start3A_450 = arith.constant 0 : i32
        %dma_start3A_451 = tpu.memref_slice %arg6[%dma_start3A_447, %dma_start3A_448, %dma_start3A_449, %dma_start3A_450] : memref<2x3x64x128xi32, #tpu.memory_space<vmem>> -> memref<1x1x64x128xi32, #tpu.memory_space<vmem>>
        %dma_start3A_452 = tpu.memref_squeeze %dma_start3A_451 : memref<1x1x64x128xi32, #tpu.memory_space<vmem>> -> memref<64x128xi32, #tpu.memory_space<vmem>>
        %dma_start3A_453 = tpu.memref_slice %arg5[%dma_start3A_445, %dma_start3A_446, %mul3A_444] : memref<3x1x512xi32, #tpu.memory_space<vmem>> -> memref<1x1x64xi32, #tpu.memory_space<vmem>>
        %dma_start3A_454 = tpu.memref_squeeze %dma_start3A_453 : memref<1x1x64xi32, #tpu.memory_space<vmem>> -> memref<64xi32, #tpu.memory_space<vmem>>
        %dma_start3A_455 = arith.constant 0 : i32
        %dma_start3A_456 = arith.constant 0 : i32
        %dma_start3A_457 = tpu.memref_slice %arg2[%dma_start3A_455, %dma_start3A_456] : memref<12288x128xi32, #tpu.memory_space<hbm>> -> memref<12288x128xi32, #tpu.memory_space<hbm>>
        tpu.enqueue_indirect_dma source(%dma_start3A_457 : memref<12288x128xi32, #tpu.memory_space<hbm>>) target(%dma_start3A_452 : memref<64x128xi32, #tpu.memory_space<vmem>>) offsets(%dma_start3A_454 : memref<64xi32, #tpu.memory_space<vmem>>) semaphore(%arg8 : memref<!tpu.dma_semaphore, #tpu.memory_space<semaphore_mem>>)
        %mul3A_458 = arith.constant 64 : i32
        %mul3A_459 = arith.muli %sub3A_442, %mul3A_458 : i32
        %dma_start3A_460 = arith.constant 1 : i32
        %dma_start3A_461 = arith.constant 0 : i32
        %dma_start3A_462 = arith.constant 1 : i32
        %dma_start3A_463 = arith.constant 1 : i32
        %dma_start3A_464 = arith.constant 0 : i32
        %dma_start3A_465 = arith.constant 0 : i32
        %dma_start3A_466 = tpu.memref_slice %arg6[%dma_start3A_462, %dma_start3A_463, %dma_start3A_464, %dma_start3A_465] : memref<2x3x64x128xi32, #tpu.memory_space<vmem>> -> memref<1x1x64x128xi32, #tpu.memory_space<vmem>>
        %dma_start3A_467 = tpu.memref_squeeze %dma_start3A_466 : memref<1x1x64x128xi32, #tpu.memory_space<vmem>> -> memref<64x128xi32, #tpu.memory_space<vmem>>
        %dma_start3A_468 = tpu.memref_slice %arg5[%dma_start3A_460, %dma_start3A_461, %mul3A_459] : memref<3x1x512xi32, #tpu.memory_space<vmem>> -> memref<1x1x64xi32, #tpu.memory_space<vmem>>
        %dma_start3A_469 = tpu.memref_squeeze %dma_start3A_468 : memref<1x1x64xi32, #tpu.memory_space<vmem>> -> memref<64xi32, #tpu.memory_space<vmem>>
        %dma_start3A_470 = arith.constant 0 : i32
        %dma_start3A_471 = arith.constant 0 : i32
        %dma_start3A_472 = tpu.memref_slice %arg2[%dma_start3A_470, %dma_start3A_471] : memref<12288x128xi32, #tpu.memory_space<hbm>> -> memref<12288x128xi32, #tpu.memory_space<hbm>>
        tpu.enqueue_indirect_dma source(%dma_start3A_472 : memref<12288x128xi32, #tpu.memory_space<hbm>>) target(%dma_start3A_467 : memref<64x128xi32, #tpu.memory_space<vmem>>) offsets(%dma_start3A_469 : memref<64xi32, #tpu.memory_space<vmem>>) semaphore(%arg8 : memref<!tpu.dma_semaphore, #tpu.memory_space<semaphore_mem>>)
        %mul3A_473 = arith.constant 64 : i32
        %mul3A_474 = arith.muli %sub3A_442, %mul3A_473 : i32
        %dma_start3A_475 = arith.constant 2 : i32
        %dma_start3A_476 = arith.constant 0 : i32
        %dma_start3A_477 = arith.constant 1 : i32
        %dma_start3A_478 = arith.constant 2 : i32
        %dma_start3A_479 = arith.constant 0 : i32
        %dma_start3A_480 = arith.constant 0 : i32
        %dma_start3A_481 = tpu.memref_slice %arg6[%dma_start3A_477, %dma_start3A_478, %dma_start3A_479, %dma_start3A_480] : memref<2x3x64x128xi32, #tpu.memory_space<vmem>> -> memref<1x1x64x128xi32, #tpu.memory_space<vmem>>
        %dma_start3A_482 = tpu.memref_squeeze %dma_start3A_481 : memref<1x1x64x128xi32, #tpu.memory_space<vmem>> -> memref<64x128xi32, #tpu.memory_space<vmem>>
        %dma_start3A_483 = tpu.memref_slice %arg5[%dma_start3A_475, %dma_start3A_476, %mul3A_474] : memref<3x1x512xi32, #tpu.memory_space<vmem>> -> memref<1x1x64xi32, #tpu.memory_space<vmem>>
        %dma_start3A_484 = tpu.memref_squeeze %dma_start3A_483 : memref<1x1x64xi32, #tpu.memory_space<vmem>> -> memref<64xi32, #tpu.memory_space<vmem>>
        %dma_start3A_485 = arith.constant 0 : i32
        %dma_start3A_486 = arith.constant 0 : i32
        %dma_start3A_487 = tpu.memref_slice %arg2[%dma_start3A_485, %dma_start3A_486] : memref<12288x128xi32, #tpu.memory_space<hbm>> -> memref<12288x128xi32, #tpu.memory_space<hbm>>
        tpu.enqueue_indirect_dma source(%dma_start3A_487 : memref<12288x128xi32, #tpu.memory_space<hbm>>) target(%dma_start3A_482 : memref<64x128xi32, #tpu.memory_space<vmem>>) offsets(%dma_start3A_484 : memref<64xi32, #tpu.memory_space<vmem>>) semaphore(%arg8 : memref<!tpu.dma_semaphore, #tpu.memory_space<semaphore_mem>>)
      } else {
      }
      %dma_wait3A_206 = arith.constant 0 : i32
      %dma_wait3A_207 = arith.constant 0 : i32
      %dma_wait3A_208 = arith.constant 0 : i32
      %dma_wait3A_209 = arith.constant 0 : i32
      %dma_wait3A_210 = tpu.memref_slice %arg6[%dma_wait3A_206, %dma_wait3A_207, %dma_wait3A_208, %dma_wait3A_209] : memref<2x3x64x128xi32, #tpu.memory_space<vmem>> -> memref<1x1x64x128xi32, #tpu.memory_space<vmem>>
      %dma_wait3A_211 = tpu.memref_squeeze %dma_wait3A_210 : memref<1x1x64x128xi32, #tpu.memory_space<vmem>> -> memref<64x128xi32, #tpu.memory_space<vmem>>
      %dma_wait3A_212 = arith.constant 0 : i32
      %dma_wait3A_213 = arith.constant 0 : i32
      %dma_wait3A_214 = tpu.memref_slice %arg2[%dma_wait3A_212, %dma_wait3A_213] : memref<12288x128xi32, #tpu.memory_space<hbm>> -> memref<64x128xi32, #tpu.memory_space<hbm>>
      %dma_wait3A_215 = arith.constant 0 : i32
      %dma_wait3A_216 = arith.constant 0 : i32
      %dma_wait3A_217 = tpu.memref_slice %arg6[%dma_wait3A_206, %dma_wait3A_207, %dma_wait3A_215, %dma_wait3A_216] : memref<2x3x64x128xi32, #tpu.memory_space<vmem>> -> memref<1x1x64x128xi32, #tpu.memory_space<vmem>>
      %dma_wait3A_218 = tpu.memref_squeeze %dma_wait3A_217 : memref<1x1x64x128xi32, #tpu.memory_space<vmem>> -> memref<64x128xi32, #tpu.memory_space<vmem>>
      %dma_wait3A_219 = arith.constant 0 : i32
      %dma_wait3A_220 = arith.constant 0 : i32
      %dma_wait3A_221 = tpu.memref_slice %arg2[%dma_wait3A_219, %dma_wait3A_220] : memref<12288x128xi32, #tpu.memory_space<hbm>> -> memref<64x128xi32, #tpu.memory_space<hbm>>
      tpu.wait_dma2 semaphore(%arg7 : memref<!tpu.dma_semaphore, #tpu.memory_space<semaphore_mem>>) src(%dma_wait3A_221 : memref<64x128xi32, #tpu.memory_space<hbm>>) dst(%dma_wait3A_218 : memref<64x128xi32, #tpu.memory_space<vmem>>)
      %dma_wait3A_222 = arith.constant 0 : i32
      %dma_wait3A_223 = arith.constant 1 : i32
      %dma_wait3A_224 = arith.constant 0 : i32
      %dma_wait3A_225 = arith.constant 0 : i32
      %dma_wait3A_226 = tpu.memref_slice %arg6[%dma_wait3A_222, %dma_wait3A_223, %dma_wait3A_224, %dma_wait3A_225] : memref<2x3x64x128xi32, #tpu.memory_space<vmem>> -> memref<1x1x64x128xi32, #tpu.memory_space<vmem>>
      %dma_wait3A_227 = tpu.memref_squeeze %dma_wait3A_226 : memref<1x1x64x128xi32, #tpu.memory_space<vmem>> -> memref<64x128xi32, #tpu.memory_space<vmem>>
      %dma_wait3A_228 = arith.constant 0 : i32
      %dma_wait3A_229 = arith.constant 0 : i32
      %dma_wait3A_230 = tpu.memref_slice %arg2[%dma_wait3A_228, %dma_wait3A_229] : memref<12288x128xi32, #tpu.memory_space<hbm>> -> memref<64x128xi32, #tpu.memory_space<hbm>>
      %dma_wait3A_231 = arith.constant 0 : i32
      %dma_wait3A_232 = arith.constant 0 : i32
      %dma_wait3A_233 = tpu.memref_slice %arg6[%dma_wait3A_222, %dma_wait3A_223, %dma_wait3A_231, %dma_wait3A_232] : memref<2x3x64x128xi32, #tpu.memory_space<vmem>> -> memref<1x1x64x128xi32, #tpu.memory_space<vmem>>
      %dma_wait3A_234 = tpu.memref_squeeze %dma_wait3A_233 : memref<1x1x64x128xi32, #tpu.memory_space<vmem>> -> memref<64x128xi32, #tpu.memory_space<vmem>>
      %dma_wait3A_235 = arith.constant 0 : i32
      %dma_wait3A_236 = arith.constant 0 : i32
      %dma_wait3A_237 = tpu.memref_slice %arg2[%dma_wait3A_235, %dma_wait3A_236] : memref<12288x128xi32, #tpu.memory_space<hbm>> -> memref<64x128xi32, #tpu.memory_space<hbm>>
      tpu.wait_dma2 semaphore(%arg7 : memref<!tpu.dma_semaphore, #tpu.memory_space<semaphore_mem>>) src(%dma_wait3A_237 : memref<64x128xi32, #tpu.memory_space<hbm>>) dst(%dma_wait3A_234 : memref<64x128xi32, #tpu.memory_space<vmem>>)
      %dma_wait3A_238 = arith.constant 0 : i32
      %dma_wait3A_239 = arith.constant 2 : i32
      %dma_wait3A_240 = arith.constant 0 : i32
      %dma_wait3A_241 = arith.constant 0 : i32
      %dma_wait3A_242 = tpu.memref_slice %arg6[%dma_wait3A_238, %dma_wait3A_239, %dma_wait3A_240, %dma_wait3A_241] : memref<2x3x64x128xi32, #tpu.memory_space<vmem>> -> memref<1x1x64x128xi32, #tpu.memory_space<vmem>>
      %dma_wait3A_243 = tpu.memref_squeeze %dma_wait3A_242 : memref<1x1x64x128xi32, #tpu.memory_space<vmem>> -> memref<64x128xi32, #tpu.memory_space<vmem>>
      %dma_wait3A_244 = arith.constant 0 : i32
      %dma_wait3A_245 = arith.constant 0 : i32
      %dma_wait3A_246 = tpu.memref_slice %arg2[%dma_wait3A_244, %dma_wait3A_245] : memref<12288x128xi32, #tpu.memory_space<hbm>> -> memref<64x128xi32, #tpu.memory_space<hbm>>
      %dma_wait3A_247 = arith.constant 0 : i32
      %dma_wait3A_248 = arith.constant 0 : i32
      %dma_wait3A_249 = tpu.memref_slice %arg6[%dma_wait3A_238, %dma_wait3A_239, %dma_wait3A_247, %dma_wait3A_248] : memref<2x3x64x128xi32, #tpu.memory_space<vmem>> -> memref<1x1x64x128xi32, #tpu.memory_space<vmem>>
      %dma_wait3A_250 = tpu.memref_squeeze %dma_wait3A_249 : memref<1x1x64x128xi32, #tpu.memory_space<vmem>> -> memref<64x128xi32, #tpu.memory_space<vmem>>
      %dma_wait3A_251 = arith.constant 0 : i32
      %dma_wait3A_252 = arith.constant 0 : i32
      %dma_wait3A_253 = tpu.memref_slice %arg2[%dma_wait3A_251, %dma_wait3A_252] : memref<12288x128xi32, #tpu.memory_space<hbm>> -> memref<64x128xi32, #tpu.memory_space<hbm>>
      tpu.wait_dma2 semaphore(%arg7 : memref<!tpu.dma_semaphore, #tpu.memory_space<semaphore_mem>>) src(%dma_wait3A_253 : memref<64x128xi32, #tpu.memory_space<hbm>>) dst(%dma_wait3A_250 : memref<64x128xi32, #tpu.memory_space<vmem>>)
      %mul3A_254 = arith.constant 64 : i32
      %mul3A_255 = arith.muli %add3A_198, %mul3A_254 : i32
      %add3A_256 = arith.addi %mul3A_2, %mul3A_255 : i32
      %dma_start3A_257 = arith.constant 0 : i32
      %dma_start3A_258 = arith.constant 0 : i32
      %dma_start3A_259 = arith.constant 0 : i32
      %dma_start3A_260 = arith.constant 0 : i32
      %dma_start3A_261 = arith.constant 0 : i32
      %dma_start3A_262 = tpu.memref_slice %arg6[%dma_start3A_257, %dma_start3A_258, %dma_start3A_260, %dma_start3A_261] : memref<2x3x64x128xi32, #tpu.memory_space<vmem>> -> memref<1x1x64x128xi32, #tpu.memory_space<vmem>>
      %dma_start3A_263 = tpu.memref_squeeze %dma_start3A_262 : memref<1x1x64x128xi32, #tpu.memory_space<vmem>> -> memref<64x128xi32, #tpu.memory_space<vmem>>
      %dma_start3A_264 = arith.constant 0 : i32
      %dma_start3A_265 = tpu.memref_slice %arg4[%dma_start3A_259, %add3A_256, %dma_start3A_264] : memref<3x16384x128xi32, #tpu.memory_space<hbm>> -> memref<1x64x128xi32, #tpu.memory_space<hbm>>
      %dma_start3A_266 = tpu.memref_squeeze %dma_start3A_265 : memref<1x64x128xi32, #tpu.memory_space<hbm>> -> memref<64x128xi32, #tpu.memory_space<hbm>>
      %dma_start3A_267 = arith.constant 0 : i32
      %dma_start3A_268 = tpu.memref_slice %arg4[%dma_start3A_259, %add3A_256, %dma_start3A_267] : memref<3x16384x128xi32, #tpu.memory_space<hbm>> -> memref<1x64x128xi32, #tpu.memory_space<hbm>>
      %dma_start3A_269 = tpu.memref_squeeze %dma_start3A_268 : memref<1x64x128xi32, #tpu.memory_space<hbm>> -> memref<64x128xi32, #tpu.memory_space<hbm>>
      %dma_start3A_270 = arith.constant 0 : i32
      %dma_start3A_271 = arith.constant 0 : i32
      %dma_start3A_272 = tpu.memref_slice %arg6[%dma_start3A_257, %dma_start3A_258, %dma_start3A_270, %dma_start3A_271] : memref<2x3x64x128xi32, #tpu.memory_space<vmem>> -> memref<1x1x64x128xi32, #tpu.memory_space<vmem>>
      %dma_start3A_273 = tpu.memref_squeeze %dma_start3A_272 : memref<1x1x64x128xi32, #tpu.memory_space<vmem>> -> memref<64x128xi32, #tpu.memory_space<vmem>>
      tpu.enqueue_dma source(%dma_start3A_273 : memref<64x128xi32, #tpu.memory_space<vmem>>) target(%dma_start3A_269 : memref<64x128xi32, #tpu.memory_space<hbm>>) target_semaphore(%arg9 : memref<!tpu.dma_semaphore, #tpu.memory_space<semaphore_mem>>)
      %mul3A_274 = arith.constant 64 : i32
      %mul3A_275 = arith.muli %add3A_198, %mul3A_274 : i32
      %add3A_276 = arith.addi %mul3A_2, %mul3A_275 : i32
      %dma_start3A_277 = arith.constant 0 : i32
      %dma_start3A_278 = arith.constant 1 : i32
      %dma_start3A_279 = arith.constant 1 : i32
      %dma_start3A_280 = arith.constant 0 : i32
      %dma_start3A_281 = arith.constant 0 : i32
      %dma_start3A_282 = tpu.memref_slice %arg6[%dma_start3A_277, %dma_start3A_278, %dma_start3A_280, %dma_start3A_281] : memref<2x3x64x128xi32, #tpu.memory_space<vmem>> -> memref<1x1x64x128xi32, #tpu.memory_space<vmem>>
      %dma_start3A_283 = tpu.memref_squeeze %dma_start3A_282 : memref<1x1x64x128xi32, #tpu.memory_space<vmem>> -> memref<64x128xi32, #tpu.memory_space<vmem>>
      %dma_start3A_284 = arith.constant 0 : i32
      %dma_start3A_285 = tpu.memref_slice %arg4[%dma_start3A_279, %add3A_276, %dma_start3A_284] : memref<3x16384x128xi32, #tpu.memory_space<hbm>> -> memref<1x64x128xi32, #tpu.memory_space<hbm>>
      %dma_start3A_286 = tpu.memref_squeeze %dma_start3A_285 : memref<1x64x128xi32, #tpu.memory_space<hbm>> -> memref<64x128xi32, #tpu.memory_space<hbm>>
      %dma_start3A_287 = arith.constant 0 : i32
      %dma_start3A_288 = tpu.memref_slice %arg4[%dma_start3A_279, %add3A_276, %dma_start3A_287] : memref<3x16384x128xi32, #tpu.memory_space<hbm>> -> memref<1x64x128xi32, #tpu.memory_space<hbm>>
      %dma_start3A_289 = tpu.memref_squeeze %dma_start3A_288 : memref<1x64x128xi32, #tpu.memory_space<hbm>> -> memref<64x128xi32, #tpu.memory_space<hbm>>
      %dma_start3A_290 = arith.constant 0 : i32
      %dma_start3A_291 = arith.constant 0 : i32
      %dma_start3A_292 = tpu.memref_slice %arg6[%dma_start3A_277, %dma_start3A_278, %dma_start3A_290, %dma_start3A_291] : memref<2x3x64x128xi32, #tpu.memory_space<vmem>> -> memref<1x1x64x128xi32, #tpu.memory_space<vmem>>
      %dma_start3A_293 = tpu.memref_squeeze %dma_start3A_292 : memref<1x1x64x128xi32, #tpu.memory_space<vmem>> -> memref<64x128xi32, #tpu.memory_space<vmem>>
      tpu.enqueue_dma source(%dma_start3A_293 : memref<64x128xi32, #tpu.memory_space<vmem>>) target(%dma_start3A_289 : memref<64x128xi32, #tpu.memory_space<hbm>>) target_semaphore(%arg9 : memref<!tpu.dma_semaphore, #tpu.memory_space<semaphore_mem>>)
      %mul3A_294 = arith.constant 64 : i32
      %mul3A_295 = arith.muli %add3A_198, %mul3A_294 : i32
      %add3A_296 = arith.addi %mul3A_2, %mul3A_295 : i32
      %dma_start3A_297 = arith.constant 0 : i32
      %dma_start3A_298 = arith.constant 2 : i32
      %dma_start3A_299 = arith.constant 2 : i32
      %dma_start3A_300 = arith.constant 0 : i32
      %dma_start3A_301 = arith.constant 0 : i32
      %dma_start3A_302 = tpu.memref_slice %arg6[%dma_start3A_297, %dma_start3A_298, %dma_start3A_300, %dma_start3A_301] : memref<2x3x64x128xi32, #tpu.memory_space<vmem>> -> memref<1x1x64x128xi32, #tpu.memory_space<vmem>>
      %dma_start3A_303 = tpu.memref_squeeze %dma_start3A_302 : memref<1x1x64x128xi32, #tpu.memory_space<vmem>> -> memref<64x128xi32, #tpu.memory_space<vmem>>
      %dma_start3A_304 = arith.constant 0 : i32
      %dma_start3A_305 = tpu.memref_slice %arg4[%dma_start3A_299, %add3A_296, %dma_start3A_304] : memref<3x16384x128xi32, #tpu.memory_space<hbm>> -> memref<1x64x128xi32, #tpu.memory_space<hbm>>
      %dma_start3A_306 = tpu.memref_squeeze %dma_start3A_305 : memref<1x64x128xi32, #tpu.memory_space<hbm>> -> memref<64x128xi32, #tpu.memory_space<hbm>>
      %dma_start3A_307 = arith.constant 0 : i32
      %dma_start3A_308 = tpu.memref_slice %arg4[%dma_start3A_299, %add3A_296, %dma_start3A_307] : memref<3x16384x128xi32, #tpu.memory_space<hbm>> -> memref<1x64x128xi32, #tpu.memory_space<hbm>>
      %dma_start3A_309 = tpu.memref_squeeze %dma_start3A_308 : memref<1x64x128xi32, #tpu.memory_space<hbm>> -> memref<64x128xi32, #tpu.memory_space<hbm>>
      %dma_start3A_310 = arith.constant 0 : i32
      %dma_start3A_311 = arith.constant 0 : i32
      %dma_start3A_312 = tpu.memref_slice %arg6[%dma_start3A_297, %dma_start3A_298, %dma_start3A_310, %dma_start3A_311] : memref<2x3x64x128xi32, #tpu.memory_space<vmem>> -> memref<1x1x64x128xi32, #tpu.memory_space<vmem>>
      %dma_start3A_313 = tpu.memref_squeeze %dma_start3A_312 : memref<1x1x64x128xi32, #tpu.memory_space<vmem>> -> memref<64x128xi32, #tpu.memory_space<vmem>>
      tpu.enqueue_dma source(%dma_start3A_313 : memref<64x128xi32, #tpu.memory_space<vmem>>) target(%dma_start3A_309 : memref<64x128xi32, #tpu.memory_space<hbm>>) target_semaphore(%arg9 : memref<!tpu.dma_semaphore, #tpu.memory_space<semaphore_mem>>)
      %add3A_314 = arith.constant 1 : i32
      %add3A_315 = arith.addi %mul3A_196, %add3A_314 : i32
      %add3A_316 = arith.constant 2 : i32
      %add3A_317 = arith.addi %add3A_315, %add3A_316 : i32
      %sub3A_318 = arith.constant 1 : i32
      %sub3A_319 = arith.subi %add3A_317, %sub3A_318 : i32
      %lt3A_320 = arith.constant 8 : i32
      %lt3A_321 = arith.cmpi slt, %sub3A_319, %lt3A_320 : i32
      %convert_element_type3A_322 = arith.extui %lt3A_321 : i1 to i32
      %cond3A_323 = arith.constant 0 : i32
      %cond3A_324 = arith.cmpi ne, %convert_element_type3A_322, %cond3A_323 : i32
      scf.if %cond3A_324 {
        %sub3A_433 = arith.constant 1 : i32
        %sub3A_434 = arith.subi %add3A_315, %sub3A_433 : i32
        %ge3A = arith.constant 0 : i32
        %ge3A_435 = arith.cmpi sge, %sub3A_434, %ge3A : i32
        %convert_element_type3A_436 = arith.extui %ge3A_435 : i1 to i32
        %cond3A_437 = arith.constant 0 : i32
        %cond3A_438 = arith.cmpi ne, %convert_element_type3A_436, %cond3A_437 : i32
        scf.if %cond3A_438 {
          %dma_wait3A_488 = arith.constant 0 : i32
          %dma_wait3A_489 = arith.constant 0 : i32
          %dma_wait3A_490 = arith.constant 0 : i32
          %dma_wait3A_491 = arith.constant 0 : i32
          %dma_wait3A_492 = arith.constant 0 : i32
          %dma_wait3A_493 = tpu.memref_slice %arg6[%dma_wait3A_488, %dma_wait3A_489, %dma_wait3A_491, %dma_wait3A_492] : memref<2x3x64x128xi32, #tpu.memory_space<vmem>> -> memref<1x1x64x128xi32, #tpu.memory_space<vmem>>
          %dma_wait3A_494 = tpu.memref_squeeze %dma_wait3A_493 : memref<1x1x64x128xi32, #tpu.memory_space<vmem>> -> memref<64x128xi32, #tpu.memory_space<vmem>>
          %dma_wait3A_495 = arith.constant 0 : i32
          %dma_wait3A_496 = arith.constant 0 : i32
          %dma_wait3A_497 = tpu.memref_slice %arg4[%dma_wait3A_490, %dma_wait3A_495, %dma_wait3A_496] : memref<3x16384x128xi32, #tpu.memory_space<hbm>> -> memref<1x64x128xi32, #tpu.memory_space<hbm>>
          %dma_wait3A_498 = tpu.memref_squeeze %dma_wait3A_497 : memref<1x64x128xi32, #tpu.memory_space<hbm>> -> memref<64x128xi32, #tpu.memory_space<hbm>>
          %dma_wait3A_499 = arith.constant 0 : i32
          %dma_wait3A_500 = arith.constant 0 : i32
          %dma_wait3A_501 = tpu.memref_slice %arg4[%dma_wait3A_490, %dma_wait3A_499, %dma_wait3A_500] : memref<3x16384x128xi32, #tpu.memory_space<hbm>> -> memref<1x64x128xi32, #tpu.memory_space<hbm>>
          %dma_wait3A_502 = tpu.memref_squeeze %dma_wait3A_501 : memref<1x64x128xi32, #tpu.memory_space<hbm>> -> memref<64x128xi32, #tpu.memory_space<hbm>>
          %dma_wait3A_503 = arith.constant 0 : i32
          %dma_wait3A_504 = arith.constant 0 : i32
          %dma_wait3A_505 = tpu.memref_slice %arg6[%dma_wait3A_488, %dma_wait3A_489, %dma_wait3A_503, %dma_wait3A_504] : memref<2x3x64x128xi32, #tpu.memory_space<vmem>> -> memref<1x1x64x128xi32, #tpu.memory_space<vmem>>
          %dma_wait3A_506 = tpu.memref_squeeze %dma_wait3A_505 : memref<1x1x64x128xi32, #tpu.memory_space<vmem>> -> memref<64x128xi32, #tpu.memory_space<vmem>>
          tpu.wait_dma2 semaphore(%arg9 : memref<!tpu.dma_semaphore, #tpu.memory_space<semaphore_mem>>) src(%dma_wait3A_506 : memref<64x128xi32, #tpu.memory_space<vmem>>) dst(%dma_wait3A_502 : memref<64x128xi32, #tpu.memory_space<hbm>>)
          %dma_wait3A_507 = arith.constant 0 : i32
          %dma_wait3A_508 = arith.constant 1 : i32
          %dma_wait3A_509 = arith.constant 0 : i32
          %dma_wait3A_510 = arith.constant 0 : i32
          %dma_wait3A_511 = arith.constant 0 : i32
          %dma_wait3A_512 = tpu.memref_slice %arg6[%dma_wait3A_507, %dma_wait3A_508, %dma_wait3A_510, %dma_wait3A_511] : memref<2x3x64x128xi32, #tpu.memory_space<vmem>> -> memref<1x1x64x128xi32, #tpu.memory_space<vmem>>
          %dma_wait3A_513 = tpu.memref_squeeze %dma_wait3A_512 : memref<1x1x64x128xi32, #tpu.memory_space<vmem>> -> memref<64x128xi32, #tpu.memory_space<vmem>>
          %dma_wait3A_514 = arith.constant 0 : i32
          %dma_wait3A_515 = arith.constant 0 : i32
          %dma_wait3A_516 = tpu.memref_slice %arg4[%dma_wait3A_509, %dma_wait3A_514, %dma_wait3A_515] : memref<3x16384x128xi32, #tpu.memory_space<hbm>> -> memref<1x64x128xi32, #tpu.memory_space<hbm>>
          %dma_wait3A_517 = tpu.memref_squeeze %dma_wait3A_516 : memref<1x64x128xi32, #tpu.memory_space<hbm>> -> memref<64x128xi32, #tpu.memory_space<hbm>>
          %dma_wait3A_518 = arith.constant 0 : i32
          %dma_wait3A_519 = arith.constant 0 : i32
          %dma_wait3A_520 = tpu.memref_slice %arg4[%dma_wait3A_509, %dma_wait3A_518, %dma_wait3A_519] : memref<3x16384x128xi32, #tpu.memory_space<hbm>> -> memref<1x64x128xi32, #tpu.memory_space<hbm>>
          %dma_wait3A_521 = tpu.memref_squeeze %dma_wait3A_520 : memref<1x64x128xi32, #tpu.memory_space<hbm>> -> memref<64x128xi32, #tpu.memory_space<hbm>>
          %dma_wait3A_522 = arith.constant 0 : i32
          %dma_wait3A_523 = arith.constant 0 : i32
          %dma_wait3A_524 = tpu.memref_slice %arg6[%dma_wait3A_507, %dma_wait3A_508, %dma_wait3A_522, %dma_wait3A_523] : memref<2x3x64x128xi32, #tpu.memory_space<vmem>> -> memref<1x1x64x128xi32, #tpu.memory_space<vmem>>
          %dma_wait3A_525 = tpu.memref_squeeze %dma_wait3A_524 : memref<1x1x64x128xi32, #tpu.memory_space<vmem>> -> memref<64x128xi32, #tpu.memory_space<vmem>>
          tpu.wait_dma2 semaphore(%arg9 : memref<!tpu.dma_semaphore, #tpu.memory_space<semaphore_mem>>) src(%dma_wait3A_525 : memref<64x128xi32, #tpu.memory_space<vmem>>) dst(%dma_wait3A_521 : memref<64x128xi32, #tpu.memory_space<hbm>>)
          %dma_wait3A_526 = arith.constant 0 : i32
          %dma_wait3A_527 = arith.constant 2 : i32
          %dma_wait3A_528 = arith.constant 0 : i32
          %dma_wait3A_529 = arith.constant 0 : i32
          %dma_wait3A_530 = arith.constant 0 : i32
          %dma_wait3A_531 = tpu.memref_slice %arg6[%dma_wait3A_526, %dma_wait3A_527, %dma_wait3A_529, %dma_wait3A_530] : memref<2x3x64x128xi32, #tpu.memory_space<vmem>> -> memref<1x1x64x128xi32, #tpu.memory_space<vmem>>
          %dma_wait3A_532 = tpu.memref_squeeze %dma_wait3A_531 : memref<1x1x64x128xi32, #tpu.memory_space<vmem>> -> memref<64x128xi32, #tpu.memory_space<vmem>>
          %dma_wait3A_533 = arith.constant 0 : i32
          %dma_wait3A_534 = arith.constant 0 : i32
          %dma_wait3A_535 = tpu.memref_slice %arg4[%dma_wait3A_528, %dma_wait3A_533, %dma_wait3A_534] : memref<3x16384x128xi32, #tpu.memory_space<hbm>> -> memref<1x64x128xi32, #tpu.memory_space<hbm>>
          %dma_wait3A_536 = tpu.memref_squeeze %dma_wait3A_535 : memref<1x64x128xi32, #tpu.memory_space<hbm>> -> memref<64x128xi32, #tpu.memory_space<hbm>>
          %dma_wait3A_537 = arith.constant 0 : i32
          %dma_wait3A_538 = arith.constant 0 : i32
          %dma_wait3A_539 = tpu.memref_slice %arg4[%dma_wait3A_528, %dma_wait3A_537, %dma_wait3A_538] : memref<3x16384x128xi32, #tpu.memory_space<hbm>> -> memref<1x64x128xi32, #tpu.memory_space<hbm>>
          %dma_wait3A_540 = tpu.memref_squeeze %dma_wait3A_539 : memref<1x64x128xi32, #tpu.memory_space<hbm>> -> memref<64x128xi32, #tpu.memory_space<hbm>>
          %dma_wait3A_541 = arith.constant 0 : i32
          %dma_wait3A_542 = arith.constant 0 : i32
          %dma_wait3A_543 = tpu.memref_slice %arg6[%dma_wait3A_526, %dma_wait3A_527, %dma_wait3A_541, %dma_wait3A_542] : memref<2x3x64x128xi32, #tpu.memory_space<vmem>> -> memref<1x1x64x128xi32, #tpu.memory_space<vmem>>
          %dma_wait3A_544 = tpu.memref_squeeze %dma_wait3A_543 : memref<1x1x64x128xi32, #tpu.memory_space<vmem>> -> memref<64x128xi32, #tpu.memory_space<vmem>>
          tpu.wait_dma2 semaphore(%arg9 : memref<!tpu.dma_semaphore, #tpu.memory_space<semaphore_mem>>) src(%dma_wait3A_544 : memref<64x128xi32, #tpu.memory_space<vmem>>) dst(%dma_wait3A_540 : memref<64x128xi32, #tpu.memory_space<hbm>>)
        } else {
        }
        %add3A_439 = arith.constant 2 : i32
        %add3A_440 = arith.addi %add3A_315, %add3A_439 : i32
        %sub3A_441 = arith.constant 1 : i32
        %sub3A_442 = arith.subi %add3A_440, %sub3A_441 : i32
        %mul3A_443 = arith.constant 64 : i32
        %mul3A_444 = arith.muli %sub3A_442, %mul3A_443 : i32
        %dma_start3A_445 = arith.constant 0 : i32
        %dma_start3A_446 = arith.constant 0 : i32
        %dma_start3A_447 = arith.constant 0 : i32
        %dma_start3A_448 = arith.constant 0 : i32
        %dma_start3A_449 = arith.constant 0 : i32
        %dma_start3A_450 = arith.constant 0 : i32
        %dma_start3A_451 = tpu.memref_slice %arg6[%dma_start3A_447, %dma_start3A_448, %dma_start3A_449, %dma_start3A_450] : memref<2x3x64x128xi32, #tpu.memory_space<vmem>> -> memref<1x1x64x128xi32, #tpu.memory_space<vmem>>
        %dma_start3A_452 = tpu.memref_squeeze %dma_start3A_451 : memref<1x1x64x128xi32, #tpu.memory_space<vmem>> -> memref<64x128xi32, #tpu.memory_space<vmem>>
        %dma_start3A_453 = tpu.memref_slice %arg5[%dma_start3A_445, %dma_start3A_446, %mul3A_444] : memref<3x1x512xi32, #tpu.memory_space<vmem>> -> memref<1x1x64xi32, #tpu.memory_space<vmem>>
        %dma_start3A_454 = tpu.memref_squeeze %dma_start3A_453 : memref<1x1x64xi32, #tpu.memory_space<vmem>> -> memref<64xi32, #tpu.memory_space<vmem>>
        %dma_start3A_455 = arith.constant 0 : i32
        %dma_start3A_456 = arith.constant 0 : i32
        %dma_start3A_457 = tpu.memref_slice %arg2[%dma_start3A_455, %dma_start3A_456] : memref<12288x128xi32, #tpu.memory_space<hbm>> -> memref<12288x128xi32, #tpu.memory_space<hbm>>
        tpu.enqueue_indirect_dma source(%dma_start3A_457 : memref<12288x128xi32, #tpu.memory_space<hbm>>) target(%dma_start3A_452 : memref<64x128xi32, #tpu.memory_space<vmem>>) offsets(%dma_start3A_454 : memref<64xi32, #tpu.memory_space<vmem>>) semaphore(%arg7 : memref<!tpu.dma_semaphore, #tpu.memory_space<semaphore_mem>>)
        %mul3A_458 = arith.constant 64 : i32
        %mul3A_459 = arith.muli %sub3A_442, %mul3A_458 : i32
        %dma_start3A_460 = arith.constant 1 : i32
        %dma_start3A_461 = arith.constant 0 : i32
        %dma_start3A_462 = arith.constant 0 : i32
        %dma_start3A_463 = arith.constant 1 : i32
        %dma_start3A_464 = arith.constant 0 : i32
        %dma_start3A_465 = arith.constant 0 : i32
        %dma_start3A_466 = tpu.memref_slice %arg6[%dma_start3A_462, %dma_start3A_463, %dma_start3A_464, %dma_start3A_465] : memref<2x3x64x128xi32, #tpu.memory_space<vmem>> -> memref<1x1x64x128xi32, #tpu.memory_space<vmem>>
        %dma_start3A_467 = tpu.memref_squeeze %dma_start3A_466 : memref<1x1x64x128xi32, #tpu.memory_space<vmem>> -> memref<64x128xi32, #tpu.memory_space<vmem>>
        %dma_start3A_468 = tpu.memref_slice %arg5[%dma_start3A_460, %dma_start3A_461, %mul3A_459] : memref<3x1x512xi32, #tpu.memory_space<vmem>> -> memref<1x1x64xi32, #tpu.memory_space<vmem>>
        %dma_start3A_469 = tpu.memref_squeeze %dma_start3A_468 : memref<1x1x64xi32, #tpu.memory_space<vmem>> -> memref<64xi32, #tpu.memory_space<vmem>>
        %dma_start3A_470 = arith.constant 0 : i32
        %dma_start3A_471 = arith.constant 0 : i32
        %dma_start3A_472 = tpu.memref_slice %arg2[%dma_start3A_470, %dma_start3A_471] : memref<12288x128xi32, #tpu.memory_space<hbm>> -> memref<12288x128xi32, #tpu.memory_space<hbm>>
        tpu.enqueue_indirect_dma source(%dma_start3A_472 : memref<12288x128xi32, #tpu.memory_space<hbm>>) target(%dma_start3A_467 : memref<64x128xi32, #tpu.memory_space<vmem>>) offsets(%dma_start3A_469 : memref<64xi32, #tpu.memory_space<vmem>>) semaphore(%arg7 : memref<!tpu.dma_semaphore, #tpu.memory_space<semaphore_mem>>)
        %mul3A_473 = arith.constant 64 : i32
        %mul3A_474 = arith.muli %sub3A_442, %mul3A_473 : i32
        %dma_start3A_475 = arith.constant 2 : i32
        %dma_start3A_476 = arith.constant 0 : i32
        %dma_start3A_477 = arith.constant 0 : i32
        %dma_start3A_478 = arith.constant 2 : i32
        %dma_start3A_479 = arith.constant 0 : i32
        %dma_start3A_480 = arith.constant 0 : i32
        %dma_start3A_481 = tpu.memref_slice %arg6[%dma_start3A_477, %dma_start3A_478, %dma_start3A_479, %dma_start3A_480] : memref<2x3x64x128xi32, #tpu.memory_space<vmem>> -> memref<1x1x64x128xi32, #tpu.memory_space<vmem>>
        %dma_start3A_482 = tpu.memref_squeeze %dma_start3A_481 : memref<1x1x64x128xi32, #tpu.memory_space<vmem>> -> memref<64x128xi32, #tpu.memory_space<vmem>>
        %dma_start3A_483 = tpu.memref_slice %arg5[%dma_start3A_475, %dma_start3A_476, %mul3A_474] : memref<3x1x512xi32, #tpu.memory_space<vmem>> -> memref<1x1x64xi32, #tpu.memory_space<vmem>>
        %dma_start3A_484 = tpu.memref_squeeze %dma_start3A_483 : memref<1x1x64xi32, #tpu.memory_space<vmem>> -> memref<64xi32, #tpu.memory_space<vmem>>
        %dma_start3A_485 = arith.constant 0 : i32
        %dma_start3A_486 = arith.constant 0 : i32
        %dma_start3A_487 = tpu.memref_slice %arg2[%dma_start3A_485, %dma_start3A_486] : memref<12288x128xi32, #tpu.memory_space<hbm>> -> memref<12288x128xi32, #tpu.memory_space<hbm>>
        tpu.enqueue_indirect_dma source(%dma_start3A_487 : memref<12288x128xi32, #tpu.memory_space<hbm>>) target(%dma_start3A_482 : memref<64x128xi32, #tpu.memory_space<vmem>>) offsets(%dma_start3A_484 : memref<64xi32, #tpu.memory_space<vmem>>) semaphore(%arg7 : memref<!tpu.dma_semaphore, #tpu.memory_space<semaphore_mem>>)
      } else {
      }
      %dma_wait3A_325 = arith.constant 1 : i32
      %dma_wait3A_326 = arith.constant 0 : i32
      %dma_wait3A_327 = arith.constant 0 : i32
      %dma_wait3A_328 = arith.constant 0 : i32
      %dma_wait3A_329 = tpu.memref_slice %arg6[%dma_wait3A_325, %dma_wait3A_326, %dma_wait3A_327, %dma_wait3A_328] : memref<2x3x64x128xi32, #tpu.memory_space<vmem>> -> memref<1x1x64x128xi32, #tpu.memory_space<vmem>>
      %dma_wait3A_330 = tpu.memref_squeeze %dma_wait3A_329 : memref<1x1x64x128xi32, #tpu.memory_space<vmem>> -> memref<64x128xi32, #tpu.memory_space<vmem>>
      %dma_wait3A_331 = arith.constant 0 : i32
      %dma_wait3A_332 = arith.constant 0 : i32
      %dma_wait3A_333 = tpu.memref_slice %arg2[%dma_wait3A_331, %dma_wait3A_332] : memref<12288x128xi32, #tpu.memory_space<hbm>> -> memref<64x128xi32, #tpu.memory_space<hbm>>
      %dma_wait3A_334 = arith.constant 0 : i32
      %dma_wait3A_335 = arith.constant 0 : i32
      %dma_wait3A_336 = tpu.memref_slice %arg6[%dma_wait3A_325, %dma_wait3A_326, %dma_wait3A_334, %dma_wait3A_335] : memref<2x3x64x128xi32, #tpu.memory_space<vmem>> -> memref<1x1x64x128xi32, #tpu.memory_space<vmem>>
      %dma_wait3A_337 = tpu.memref_squeeze %dma_wait3A_336 : memref<1x1x64x128xi32, #tpu.memory_space<vmem>> -> memref<64x128xi32, #tpu.memory_space<vmem>>
      %dma_wait3A_338 = arith.constant 0 : i32
      %dma_wait3A_339 = arith.constant 0 : i32
      %dma_wait3A_340 = tpu.memref_slice %arg2[%dma_wait3A_338, %dma_wait3A_339] : memref<12288x128xi32, #tpu.memory_space<hbm>> -> memref<64x128xi32, #tpu.memory_space<hbm>>
      tpu.wait_dma2 semaphore(%arg8 : memref<!tpu.dma_semaphore, #tpu.memory_space<semaphore_mem>>) src(%dma_wait3A_340 : memref<64x128xi32, #tpu.memory_space<hbm>>) dst(%dma_wait3A_337 : memref<64x128xi32, #tpu.memory_space<vmem>>)
      %dma_wait3A_341 = arith.constant 1 : i32
      %dma_wait3A_342 = arith.constant 1 : i32
      %dma_wait3A_343 = arith.constant 0 : i32
      %dma_wait3A_344 = arith.constant 0 : i32
      %dma_wait3A_345 = tpu.memref_slice %arg6[%dma_wait3A_341, %dma_wait3A_342, %dma_wait3A_343, %dma_wait3A_344] : memref<2x3x64x128xi32, #tpu.memory_space<vmem>> -> memref<1x1x64x128xi32, #tpu.memory_space<vmem>>
      %dma_wait3A_346 = tpu.memref_squeeze %dma_wait3A_345 : memref<1x1x64x128xi32, #tpu.memory_space<vmem>> -> memref<64x128xi32, #tpu.memory_space<vmem>>
      %dma_wait3A_347 = arith.constant 0 : i32
      %dma_wait3A_348 = arith.constant 0 : i32
      %dma_wait3A_349 = tpu.memref_slice %arg2[%dma_wait3A_347, %dma_wait3A_348] : memref<12288x128xi32, #tpu.memory_space<hbm>> -> memref<64x128xi32, #tpu.memory_space<hbm>>
      %dma_wait3A_350 = arith.constant 0 : i32
      %dma_wait3A_351 = arith.constant 0 : i32
      %dma_wait3A_352 = tpu.memref_slice %arg6[%dma_wait3A_341, %dma_wait3A_342, %dma_wait3A_350, %dma_wait3A_351] : memref<2x3x64x128xi32, #tpu.memory_space<vmem>> -> memref<1x1x64x128xi32, #tpu.memory_space<vmem>>
      %dma_wait3A_353 = tpu.memref_squeeze %dma_wait3A_352 : memref<1x1x64x128xi32, #tpu.memory_space<vmem>> -> memref<64x128xi32, #tpu.memory_space<vmem>>
      %dma_wait3A_354 = arith.constant 0 : i32
      %dma_wait3A_355 = arith.constant 0 : i32
      %dma_wait3A_356 = tpu.memref_slice %arg2[%dma_wait3A_354, %dma_wait3A_355] : memref<12288x128xi32, #tpu.memory_space<hbm>> -> memref<64x128xi32, #tpu.memory_space<hbm>>
      tpu.wait_dma2 semaphore(%arg8 : memref<!tpu.dma_semaphore, #tpu.memory_space<semaphore_mem>>) src(%dma_wait3A_356 : memref<64x128xi32, #tpu.memory_space<hbm>>) dst(%dma_wait3A_353 : memref<64x128xi32, #tpu.memory_space<vmem>>)
      %dma_wait3A_357 = arith.constant 1 : i32
      %dma_wait3A_358 = arith.constant 2 : i32
      %dma_wait3A_359 = arith.constant 0 : i32
      %dma_wait3A_360 = arith.constant 0 : i32
      %dma_wait3A_361 = tpu.memref_slice %arg6[%dma_wait3A_357, %dma_wait3A_358, %dma_wait3A_359, %dma_wait3A_360] : memref<2x3x64x128xi32, #tpu.memory_space<vmem>> -> memref<1x1x64x128xi32, #tpu.memory_space<vmem>>
      %dma_wait3A_362 = tpu.memref_squeeze %dma_wait3A_361 : memref<1x1x64x128xi32, #tpu.memory_space<vmem>> -> memref<64x128xi32, #tpu.memory_space<vmem>>
      %dma_wait3A_363 = arith.constant 0 : i32
      %dma_wait3A_364 = arith.constant 0 : i32
      %dma_wait3A_365 = tpu.memref_slice %arg2[%dma_wait3A_363, %dma_wait3A_364] : memref<12288x128xi32, #tpu.memory_space<hbm>> -> memref<64x128xi32, #tpu.memory_space<hbm>>
      %dma_wait3A_366 = arith.constant 0 : i32
      %dma_wait3A_367 = arith.constant 0 : i32
      %dma_wait3A_368 = tpu.memref_slice %arg6[%dma_wait3A_357, %dma_wait3A_358, %dma_wait3A_366, %dma_wait3A_367] : memref<2x3x64x128xi32, #tpu.memory_space<vmem>> -> memref<1x1x64x128xi32, #tpu.memory_space<vmem>>
      %dma_wait3A_369 = tpu.memref_squeeze %dma_wait3A_368 : memref<1x1x64x128xi32, #tpu.memory_space<vmem>> -> memref<64x128xi32, #tpu.memory_space<vmem>>
      %dma_wait3A_370 = arith.constant 0 : i32
      %dma_wait3A_371 = arith.constant 0 : i32
      %dma_wait3A_372 = tpu.memref_slice %arg2[%dma_wait3A_370, %dma_wait3A_371] : memref<12288x128xi32, #tpu.memory_space<hbm>> -> memref<64x128xi32, #tpu.memory_space<hbm>>
      tpu.wait_dma2 semaphore(%arg8 : memref<!tpu.dma_semaphore, #tpu.memory_space<semaphore_mem>>) src(%dma_wait3A_372 : memref<64x128xi32, #tpu.memory_space<hbm>>) dst(%dma_wait3A_369 : memref<64x128xi32, #tpu.memory_space<vmem>>)
      %mul3A_373 = arith.constant 64 : i32
      %mul3A_374 = arith.muli %add3A_315, %mul3A_373 : i32
      %add3A_375 = arith.addi %mul3A_2, %mul3A_374 : i32
      %dma_start3A_376 = arith.constant 1 : i32
      %dma_start3A_377 = arith.constant 0 : i32
      %dma_start3A_378 = arith.constant 0 : i32
      %dma_start3A_379 = arith.constant 0 : i32
      %dma_start3A_380 = arith.constant 0 : i32
      %dma_start3A_381 = tpu.memref_slice %arg6[%dma_start3A_376, %dma_start3A_377, %dma_start3A_379, %dma_start3A_380] : memref<2x3x64x128xi32, #tpu.memory_space<vmem>> -> memref<1x1x64x128xi32, #tpu.memory_space<vmem>>
      %dma_start3A_382 = tpu.memref_squeeze %dma_start3A_381 : memref<1x1x64x128xi32, #tpu.memory_space<vmem>> -> memref<64x128xi32, #tpu.memory_space<vmem>>
      %dma_start3A_383 = arith.constant 0 : i32
      %dma_start3A_384 = tpu.memref_slice %arg4[%dma_start3A_378, %add3A_375, %dma_start3A_383] : memref<3x16384x128xi32, #tpu.memory_space<hbm>> -> memref<1x64x128xi32, #tpu.memory_space<hbm>>
      %dma_start3A_385 = tpu.memref_squeeze %dma_start3A_384 : memref<1x64x128xi32, #tpu.memory_space<hbm>> -> memref<64x128xi32, #tpu.memory_space<hbm>>
      %dma_start3A_386 = arith.constant 0 : i32
      %dma_start3A_387 = tpu.memref_slice %arg4[%dma_start3A_378, %add3A_375, %dma_start3A_386] : memref<3x16384x128xi32, #tpu.memory_space<hbm>> -> memref<1x64x128xi32, #tpu.memory_space<hbm>>
      %dma_start3A_388 = tpu.memref_squeeze %dma_start3A_387 : memref<1x64x128xi32, #tpu.memory_space<hbm>> -> memref<64x128xi32, #tpu.memory_space<hbm>>
      %dma_start3A_389 = arith.constant 0 : i32
      %dma_start3A_390 = arith.constant 0 : i32
      %dma_start3A_391 = tpu.memref_slice %arg6[%dma_start3A_376, %dma_start3A_377, %dma_start3A_389, %dma_start3A_390] : memref<2x3x64x128xi32, #tpu.memory_space<vmem>> -> memref<1x1x64x128xi32, #tpu.memory_space<vmem>>
      %dma_start3A_392 = tpu.memref_squeeze %dma_start3A_391 : memref<1x1x64x128xi32, #tpu.memory_space<vmem>> -> memref<64x128xi32, #tpu.memory_space<vmem>>
      tpu.enqueue_dma source(%dma_start3A_392 : memref<64x128xi32, #tpu.memory_space<vmem>>) target(%dma_start3A_388 : memref<64x128xi32, #tpu.memory_space<hbm>>) target_semaphore(%arg10 : memref<!tpu.dma_semaphore, #tpu.memory_space<semaphore_mem>>)
      %mul3A_393 = arith.constant 64 : i32
      %mul3A_394 = arith.muli %add3A_315, %mul3A_393 : i32
      %add3A_395 = arith.addi %mul3A_2, %mul3A_394 : i32
      %dma_start3A_396 = arith.constant 1 : i32
      %dma_start3A_397 = arith.constant 1 : i32
      %dma_start3A_398 = arith.constant 1 : i32
      %dma_start3A_399 = arith.constant 0 : i32
      %dma_start3A_400 = arith.constant 0 : i32
      %dma_start3A_401 = tpu.memref_slice %arg6[%dma_start3A_396, %dma_start3A_397, %dma_start3A_399, %dma_start3A_400] : memref<2x3x64x128xi32, #tpu.memory_space<vmem>> -> memref<1x1x64x128xi32, #tpu.memory_space<vmem>>
      %dma_start3A_402 = tpu.memref_squeeze %dma_start3A_401 : memref<1x1x64x128xi32, #tpu.memory_space<vmem>> -> memref<64x128xi32, #tpu.memory_space<vmem>>
      %dma_start3A_403 = arith.constant 0 : i32
      %dma_start3A_404 = tpu.memref_slice %arg4[%dma_start3A_398, %add3A_395, %dma_start3A_403] : memref<3x16384x128xi32, #tpu.memory_space<hbm>> -> memref<1x64x128xi32, #tpu.memory_space<hbm>>
      %dma_start3A_405 = tpu.memref_squeeze %dma_start3A_404 : memref<1x64x128xi32, #tpu.memory_space<hbm>> -> memref<64x128xi32, #tpu.memory_space<hbm>>
      %dma_start3A_406 = arith.constant 0 : i32
      %dma_start3A_407 = tpu.memref_slice %arg4[%dma_start3A_398, %add3A_395, %dma_start3A_406] : memref<3x16384x128xi32, #tpu.memory_space<hbm>> -> memref<1x64x128xi32, #tpu.memory_space<hbm>>
      %dma_start3A_408 = tpu.memref_squeeze %dma_start3A_407 : memref<1x64x128xi32, #tpu.memory_space<hbm>> -> memref<64x128xi32, #tpu.memory_space<hbm>>
      %dma_start3A_409 = arith.constant 0 : i32
      %dma_start3A_410 = arith.constant 0 : i32
      %dma_start3A_411 = tpu.memref_slice %arg6[%dma_start3A_396, %dma_start3A_397, %dma_start3A_409, %dma_start3A_410] : memref<2x3x64x128xi32, #tpu.memory_space<vmem>> -> memref<1x1x64x128xi32, #tpu.memory_space<vmem>>
      %dma_start3A_412 = tpu.memref_squeeze %dma_start3A_411 : memref<1x1x64x128xi32, #tpu.memory_space<vmem>> -> memref<64x128xi32, #tpu.memory_space<vmem>>
      tpu.enqueue_dma source(%dma_start3A_412 : memref<64x128xi32, #tpu.memory_space<vmem>>) target(%dma_start3A_408 : memref<64x128xi32, #tpu.memory_space<hbm>>) target_semaphore(%arg10 : memref<!tpu.dma_semaphore, #tpu.memory_space<semaphore_mem>>)
      %mul3A_413 = arith.constant 64 : i32
      %mul3A_414 = arith.muli %add3A_315, %mul3A_413 : i32
      %add3A_415 = arith.addi %mul3A_2, %mul3A_414 : i32
      %dma_start3A_416 = arith.constant 1 : i32
      %dma_start3A_417 = arith.constant 2 : i32
      %dma_start3A_418 = arith.constant 2 : i32
      %dma_start3A_419 = arith.constant 0 : i32
      %dma_start3A_420 = arith.constant 0 : i32
      %dma_start3A_421 = tpu.memref_slice %arg6[%dma_start3A_416, %dma_start3A_417, %dma_start3A_419, %dma_start3A_420] : memref<2x3x64x128xi32, #tpu.memory_space<vmem>> -> memref<1x1x64x128xi32, #tpu.memory_space<vmem>>
      %dma_start3A_422 = tpu.memref_squeeze %dma_start3A_421 : memref<1x1x64x128xi32, #tpu.memory_space<vmem>> -> memref<64x128xi32, #tpu.memory_space<vmem>>
      %dma_start3A_423 = arith.constant 0 : i32
      %dma_start3A_424 = tpu.memref_slice %arg4[%dma_start3A_418, %add3A_415, %dma_start3A_423] : memref<3x16384x128xi32, #tpu.memory_space<hbm>> -> memref<1x64x128xi32, #tpu.memory_space<hbm>>
      %dma_start3A_425 = tpu.memref_squeeze %dma_start3A_424 : memref<1x64x128xi32, #tpu.memory_space<hbm>> -> memref<64x128xi32, #tpu.memory_space<hbm>>
      %dma_start3A_426 = arith.constant 0 : i32
      %dma_start3A_427 = tpu.memref_slice %arg4[%dma_start3A_418, %add3A_415, %dma_start3A_426] : memref<3x16384x128xi32, #tpu.memory_space<hbm>> -> memref<1x64x128xi32, #tpu.memory_space<hbm>>
      %dma_start3A_428 = tpu.memref_squeeze %dma_start3A_427 : memref<1x64x128xi32, #tpu.memory_space<hbm>> -> memref<64x128xi32, #tpu.memory_space<hbm>>
      %dma_start3A_429 = arith.constant 0 : i32
      %dma_start3A_430 = arith.constant 0 : i32
      %dma_start3A_431 = tpu.memref_slice %arg6[%dma_start3A_416, %dma_start3A_417, %dma_start3A_429, %dma_start3A_430] : memref<2x3x64x128xi32, #tpu.memory_space<vmem>> -> memref<1x1x64x128xi32, #tpu.memory_space<vmem>>
      %dma_start3A_432 = tpu.memref_squeeze %dma_start3A_431 : memref<1x1x64x128xi32, #tpu.memory_space<vmem>> -> memref<64x128xi32, #tpu.memory_space<vmem>>
      tpu.enqueue_dma source(%dma_start3A_432 : memref<64x128xi32, #tpu.memory_space<vmem>>) target(%dma_start3A_428 : memref<64x128xi32, #tpu.memory_space<hbm>>) target_semaphore(%arg10 : memref<!tpu.dma_semaphore, #tpu.memory_space<semaphore_mem>>)
    }
    %scan3A_80 = arith.constant 4 : i32
    %dma_wait3A = arith.constant 0 : i32
    %dma_wait3A_81 = arith.constant 0 : i32
    %dma_wait3A_82 = arith.constant 0 : i32
    %dma_wait3A_83 = arith.constant 0 : i32
    %dma_wait3A_84 = arith.constant 0 : i32
    %dma_wait3A_85 = tpu.memref_slice %arg6[%dma_wait3A, %dma_wait3A_81, %dma_wait3A_83, %dma_wait3A_84] : memref<2x3x64x128xi32, #tpu.memory_space<vmem>> -> memref<1x1x64x128xi32, #tpu.memory_space<vmem>>
    %dma_wait3A_86 = tpu.memref_squeeze %dma_wait3A_85 : memref<1x1x64x128xi32, #tpu.memory_space<vmem>> -> memref<64x128xi32, #tpu.memory_space<vmem>>
    %dma_wait3A_87 = arith.constant 0 : i32
    %dma_wait3A_88 = arith.constant 0 : i32
    %dma_wait3A_89 = tpu.memref_slice %arg4[%dma_wait3A_82, %dma_wait3A_87, %dma_wait3A_88] : memref<3x16384x128xi32, #tpu.memory_space<hbm>> -> memref<1x64x128xi32, #tpu.memory_space<hbm>>
    %dma_wait3A_90 = tpu.memref_squeeze %dma_wait3A_89 : memref<1x64x128xi32, #tpu.memory_space<hbm>> -> memref<64x128xi32, #tpu.memory_space<hbm>>
    %dma_wait3A_91 = arith.constant 0 : i32
    %dma_wait3A_92 = arith.constant 0 : i32
    %dma_wait3A_93 = tpu.memref_slice %arg4[%dma_wait3A_82, %dma_wait3A_91, %dma_wait3A_92] : memref<3x16384x128xi32, #tpu.memory_space<hbm>> -> memref<1x64x128xi32, #tpu.memory_space<hbm>>
    %dma_wait3A_94 = tpu.memref_squeeze %dma_wait3A_93 : memref<1x64x128xi32, #tpu.memory_space<hbm>> -> memref<64x128xi32, #tpu.memory_space<hbm>>
    %dma_wait3A_95 = arith.constant 0 : i32
    %dma_wait3A_96 = arith.constant 0 : i32
    %dma_wait3A_97 = tpu.memref_slice %arg6[%dma_wait3A, %dma_wait3A_81, %dma_wait3A_95, %dma_wait3A_96] : memref<2x3x64x128xi32, #tpu.memory_space<vmem>> -> memref<1x1x64x128xi32, #tpu.memory_space<vmem>>
    %dma_wait3A_98 = tpu.memref_squeeze %dma_wait3A_97 : memref<1x1x64x128xi32, #tpu.memory_space<vmem>> -> memref<64x128xi32, #tpu.memory_space<vmem>>
    tpu.wait_dma2 semaphore(%arg9 : memref<!tpu.dma_semaphore, #tpu.memory_space<semaphore_mem>>) src(%dma_wait3A_98 : memref<64x128xi32, #tpu.memory_space<vmem>>) dst(%dma_wait3A_94 : memref<64x128xi32, #tpu.memory_space<hbm>>)
    %dma_wait3A_99 = arith.constant 0 : i32
    %dma_wait3A_100 = arith.constant 1 : i32
    %dma_wait3A_101 = arith.constant 0 : i32
    %dma_wait3A_102 = arith.constant 0 : i32
    %dma_wait3A_103 = arith.constant 0 : i32
    %dma_wait3A_104 = tpu.memref_slice %arg6[%dma_wait3A_99, %dma_wait3A_100, %dma_wait3A_102, %dma_wait3A_103] : memref<2x3x64x128xi32, #tpu.memory_space<vmem>> -> memref<1x1x64x128xi32, #tpu.memory_space<vmem>>
    %dma_wait3A_105 = tpu.memref_squeeze %dma_wait3A_104 : memref<1x1x64x128xi32, #tpu.memory_space<vmem>> -> memref<64x128xi32, #tpu.memory_space<vmem>>
    %dma_wait3A_106 = arith.constant 0 : i32
    %dma_wait3A_107 = arith.constant 0 : i32
    %dma_wait3A_108 = tpu.memref_slice %arg4[%dma_wait3A_101, %dma_wait3A_106, %dma_wait3A_107] : memref<3x16384x128xi32, #tpu.memory_space<hbm>> -> memref<1x64x128xi32, #tpu.memory_space<hbm>>
    %dma_wait3A_109 = tpu.memref_squeeze %dma_wait3A_108 : memref<1x64x128xi32, #tpu.memory_space<hbm>> -> memref<64x128xi32, #tpu.memory_space<hbm>>
    %dma_wait3A_110 = arith.constant 0 : i32
    %dma_wait3A_111 = arith.constant 0 : i32
    %dma_wait3A_112 = tpu.memref_slice %arg4[%dma_wait3A_101, %dma_wait3A_110, %dma_wait3A_111] : memref<3x16384x128xi32, #tpu.memory_space<hbm>> -> memref<1x64x128xi32, #tpu.memory_space<hbm>>
    %dma_wait3A_113 = tpu.memref_squeeze %dma_wait3A_112 : memref<1x64x128xi32, #tpu.memory_space<hbm>> -> memref<64x128xi32, #tpu.memory_space<hbm>>
    %dma_wait3A_114 = arith.constant 0 : i32
    %dma_wait3A_115 = arith.constant 0 : i32
    %dma_wait3A_116 = tpu.memref_slice %arg6[%dma_wait3A_99, %dma_wait3A_100, %dma_wait3A_114, %dma_wait3A_115] : memref<2x3x64x128xi32, #tpu.memory_space<vmem>> -> memref<1x1x64x128xi32, #tpu.memory_space<vmem>>
    %dma_wait3A_117 = tpu.memref_squeeze %dma_wait3A_116 : memref<1x1x64x128xi32, #tpu.memory_space<vmem>> -> memref<64x128xi32, #tpu.memory_space<vmem>>
    tpu.wait_dma2 semaphore(%arg9 : memref<!tpu.dma_semaphore, #tpu.memory_space<semaphore_mem>>) src(%dma_wait3A_117 : memref<64x128xi32, #tpu.memory_space<vmem>>) dst(%dma_wait3A_113 : memref<64x128xi32, #tpu.memory_space<hbm>>)
    %dma_wait3A_118 = arith.constant 0 : i32
    %dma_wait3A_119 = arith.constant 2 : i32
    %dma_wait3A_120 = arith.constant 0 : i32
    %dma_wait3A_121 = arith.constant 0 : i32
    %dma_wait3A_122 = arith.constant 0 : i32
    %dma_wait3A_123 = tpu.memref_slice %arg6[%dma_wait3A_118, %dma_wait3A_119, %dma_wait3A_121, %dma_wait3A_122] : memref<2x3x64x128xi32, #tpu.memory_space<vmem>> -> memref<1x1x64x128xi32, #tpu.memory_space<vmem>>
    %dma_wait3A_124 = tpu.memref_squeeze %dma_wait3A_123 : memref<1x1x64x128xi32, #tpu.memory_space<vmem>> -> memref<64x128xi32, #tpu.memory_space<vmem>>
    %dma_wait3A_125 = arith.constant 0 : i32
    %dma_wait3A_126 = arith.constant 0 : i32
    %dma_wait3A_127 = tpu.memref_slice %arg4[%dma_wait3A_120, %dma_wait3A_125, %dma_wait3A_126] : memref<3x16384x128xi32, #tpu.memory_space<hbm>> -> memref<1x64x128xi32, #tpu.memory_space<hbm>>
    %dma_wait3A_128 = tpu.memref_squeeze %dma_wait3A_127 : memref<1x64x128xi32, #tpu.memory_space<hbm>> -> memref<64x128xi32, #tpu.memory_space<hbm>>
    %dma_wait3A_129 = arith.constant 0 : i32
    %dma_wait3A_130 = arith.constant 0 : i32
    %dma_wait3A_131 = tpu.memref_slice %arg4[%dma_wait3A_120, %dma_wait3A_129, %dma_wait3A_130] : memref<3x16384x128xi32, #tpu.memory_space<hbm>> -> memref<1x64x128xi32, #tpu.memory_space<hbm>>
    %dma_wait3A_132 = tpu.memref_squeeze %dma_wait3A_131 : memref<1x64x128xi32, #tpu.memory_space<hbm>> -> memref<64x128xi32, #tpu.memory_space<hbm>>
    %dma_wait3A_133 = arith.constant 0 : i32
    %dma_wait3A_134 = arith.constant 0 : i32
    %dma_wait3A_135 = tpu.memref_slice %arg6[%dma_wait3A_118, %dma_wait3A_119, %dma_wait3A_133, %dma_wait3A_134] : memref<2x3x64x128xi32, #tpu.memory_space<vmem>> -> memref<1x1x64x128xi32, #tpu.memory_space<vmem>>
    %dma_wait3A_136 = tpu.memref_squeeze %dma_wait3A_135 : memref<1x1x64x128xi32, #tpu.memory_space<vmem>> -> memref<64x128xi32, #tpu.memory_space<vmem>>
    tpu.wait_dma2 semaphore(%arg9 : memref<!tpu.dma_semaphore, #tpu.memory_space<semaphore_mem>>) src(%dma_wait3A_136 : memref<64x128xi32, #tpu.memory_space<vmem>>) dst(%dma_wait3A_132 : memref<64x128xi32, #tpu.memory_space<hbm>>)
    %dma_wait3A_137 = arith.constant 1 : i32
    %dma_wait3A_138 = arith.constant 0 : i32
    %dma_wait3A_139 = arith.constant 0 : i32
    %dma_wait3A_140 = arith.constant 0 : i32
    %dma_wait3A_141 = arith.constant 0 : i32
    %dma_wait3A_142 = tpu.memref_slice %arg6[%dma_wait3A_137, %dma_wait3A_138, %dma_wait3A_140, %dma_wait3A_141] : memref<2x3x64x128xi32, #tpu.memory_space<vmem>> -> memref<1x1x64x128xi32, #tpu.memory_space<vmem>>
    %dma_wait3A_143 = tpu.memref_squeeze %dma_wait3A_142 : memref<1x1x64x128xi32, #tpu.memory_space<vmem>> -> memref<64x128xi32, #tpu.memory_space<vmem>>
    %dma_wait3A_144 = arith.constant 0 : i32
    %dma_wait3A_145 = arith.constant 0 : i32
    %dma_wait3A_146 = tpu.memref_slice %arg4[%dma_wait3A_139, %dma_wait3A_144, %dma_wait3A_145] : memref<3x16384x128xi32, #tpu.memory_space<hbm>> -> memref<1x64x128xi32, #tpu.memory_space<hbm>>
    %dma_wait3A_147 = tpu.memref_squeeze %dma_wait3A_146 : memref<1x64x128xi32, #tpu.memory_space<hbm>> -> memref<64x128xi32, #tpu.memory_space<hbm>>
    %dma_wait3A_148 = arith.constant 0 : i32
    %dma_wait3A_149 = arith.constant 0 : i32
    %dma_wait3A_150 = tpu.memref_slice %arg4[%dma_wait3A_139, %dma_wait3A_148, %dma_wait3A_149] : memref<3x16384x128xi32, #tpu.memory_space<hbm>> -> memref<1x64x128xi32, #tpu.memory_space<hbm>>
    %dma_wait3A_151 = tpu.memref_squeeze %dma_wait3A_150 : memref<1x64x128xi32, #tpu.memory_space<hbm>> -> memref<64x128xi32, #tpu.memory_space<hbm>>
    %dma_wait3A_152 = arith.constant 0 : i32
    %dma_wait3A_153 = arith.constant 0 : i32
    %dma_wait3A_154 = tpu.memref_slice %arg6[%dma_wait3A_137, %dma_wait3A_138, %dma_wait3A_152, %dma_wait3A_153] : memref<2x3x64x128xi32, #tpu.memory_space<vmem>> -> memref<1x1x64x128xi32, #tpu.memory_space<vmem>>
    %dma_wait3A_155 = tpu.memref_squeeze %dma_wait3A_154 : memref<1x1x64x128xi32, #tpu.memory_space<vmem>> -> memref<64x128xi32, #tpu.memory_space<vmem>>
    tpu.wait_dma2 semaphore(%arg10 : memref<!tpu.dma_semaphore, #tpu.memory_space<semaphore_mem>>) src(%dma_wait3A_155 : memref<64x128xi32, #tpu.memory_space<vmem>>) dst(%dma_wait3A_151 : memref<64x128xi32, #tpu.memory_space<hbm>>)
    %dma_wait3A_156 = arith.constant 1 : i32
    %dma_wait3A_157 = arith.constant 1 : i32
    %dma_wait3A_158 = arith.constant 0 : i32
    %dma_wait3A_159 = arith.constant 0 : i32
    %dma_wait3A_160 = arith.constant 0 : i32
    %dma_wait3A_161 = tpu.memref_slice %arg6[%dma_wait3A_156, %dma_wait3A_157, %dma_wait3A_159, %dma_wait3A_160] : memref<2x3x64x128xi32, #tpu.memory_space<vmem>> -> memref<1x1x64x128xi32, #tpu.memory_space<vmem>>
    %dma_wait3A_162 = tpu.memref_squeeze %dma_wait3A_161 : memref<1x1x64x128xi32, #tpu.memory_space<vmem>> -> memref<64x128xi32, #tpu.memory_space<vmem>>
    %dma_wait3A_163 = arith.constant 0 : i32
    %dma_wait3A_164 = arith.constant 0 : i32
    %dma_wait3A_165 = tpu.memref_slice %arg4[%dma_wait3A_158, %dma_wait3A_163, %dma_wait3A_164] : memref<3x16384x128xi32, #tpu.memory_space<hbm>> -> memref<1x64x128xi32, #tpu.memory_space<hbm>>
    %dma_wait3A_166 = tpu.memref_squeeze %dma_wait3A_165 : memref<1x64x128xi32, #tpu.memory_space<hbm>> -> memref<64x128xi32, #tpu.memory_space<hbm>>
    %dma_wait3A_167 = arith.constant 0 : i32
    %dma_wait3A_168 = arith.constant 0 : i32
    %dma_wait3A_169 = tpu.memref_slice %arg4[%dma_wait3A_158, %dma_wait3A_167, %dma_wait3A_168] : memref<3x16384x128xi32, #tpu.memory_space<hbm>> -> memref<1x64x128xi32, #tpu.memory_space<hbm>>
    %dma_wait3A_170 = tpu.memref_squeeze %dma_wait3A_169 : memref<1x64x128xi32, #tpu.memory_space<hbm>> -> memref<64x128xi32, #tpu.memory_space<hbm>>
    %dma_wait3A_171 = arith.constant 0 : i32
    %dma_wait3A_172 = arith.constant 0 : i32
    %dma_wait3A_173 = tpu.memref_slice %arg6[%dma_wait3A_156, %dma_wait3A_157, %dma_wait3A_171, %dma_wait3A_172] : memref<2x3x64x128xi32, #tpu.memory_space<vmem>> -> memref<1x1x64x128xi32, #tpu.memory_space<vmem>>
    %dma_wait3A_174 = tpu.memref_squeeze %dma_wait3A_173 : memref<1x1x64x128xi32, #tpu.memory_space<vmem>> -> memref<64x128xi32, #tpu.memory_space<vmem>>
    tpu.wait_dma2 semaphore(%arg10 : memref<!tpu.dma_semaphore, #tpu.memory_space<semaphore_mem>>) src(%dma_wait3A_174 : memref<64x128xi32, #tpu.memory_space<vmem>>) dst(%dma_wait3A_170 : memref<64x128xi32, #tpu.memory_space<hbm>>)
    %dma_wait3A_175 = arith.constant 1 : i32
    %dma_wait3A_176 = arith.constant 2 : i32
    %dma_wait3A_177 = arith.constant 0 : i32
    %dma_wait3A_178 = arith.constant 0 : i32
    %dma_wait3A_179 = arith.constant 0 : i32
    %dma_wait3A_180 = tpu.memref_slice %arg6[%dma_wait3A_175, %dma_wait3A_176, %dma_wait3A_178, %dma_wait3A_179] : memref<2x3x64x128xi32, #tpu.memory_space<vmem>> -> memref<1x1x64x128xi32, #tpu.memory_space<vmem>>
    %dma_wait3A_181 = tpu.memref_squeeze %dma_wait3A_180 : memref<1x1x64x128xi32, #tpu.memory_space<vmem>> -> memref<64x128xi32, #tpu.memory_space<vmem>>
    %dma_wait3A_182 = arith.constant 0 : i32
    %dma_wait3A_183 = arith.constant 0 : i32
    %dma_wait3A_184 = tpu.memref_slice %arg4[%dma_wait3A_177, %dma_wait3A_182, %dma_wait3A_183] : memref<3x16384x128xi32, #tpu.memory_space<hbm>> -> memref<1x64x128xi32, #tpu.memory_space<hbm>>
    %dma_wait3A_185 = tpu.memref_squeeze %dma_wait3A_184 : memref<1x64x128xi32, #tpu.memory_space<hbm>> -> memref<64x128xi32, #tpu.memory_space<hbm>>
    %dma_wait3A_186 = arith.constant 0 : i32
    %dma_wait3A_187 = arith.constant 0 : i32
    %dma_wait3A_188 = tpu.memref_slice %arg4[%dma_wait3A_177, %dma_wait3A_186, %dma_wait3A_187] : memref<3x16384x128xi32, #tpu.memory_space<hbm>> -> memref<1x64x128xi32, #tpu.memory_space<hbm>>
    %dma_wait3A_189 = tpu.memref_squeeze %dma_wait3A_188 : memref<1x64x128xi32, #tpu.memory_space<hbm>> -> memref<64x128xi32, #tpu.memory_space<hbm>>
    %dma_wait3A_190 = arith.constant 0 : i32
    %dma_wait3A_191 = arith.constant 0 : i32
    %dma_wait3A_192 = tpu.memref_slice %arg6[%dma_wait3A_175, %dma_wait3A_176, %dma_wait3A_190, %dma_wait3A_191] : memref<2x3x64x128xi32, #tpu.memory_space<vmem>> -> memref<1x1x64x128xi32, #tpu.memory_space<vmem>>
    %dma_wait3A_193 = tpu.memref_squeeze %dma_wait3A_192 : memref<1x1x64x128xi32, #tpu.memory_space<vmem>> -> memref<64x128xi32, #tpu.memory_space<vmem>>
    tpu.wait_dma2 semaphore(%arg10 : memref<!tpu.dma_semaphore, #tpu.memory_space<semaphore_mem>>) src(%dma_wait3A_193 : memref<64x128xi32, #tpu.memory_space<vmem>>) dst(%dma_wait3A_189 : memref<64x128xi32, #tpu.memory_space<hbm>>)
    return
  }
}

module attributes {stable_mosaic.version = 14 : i64} {
  func.func @_top3_body(%arg0: i32, %arg1: memref<1x3x1024xf32, #tpu.memory_space<vmem>>, %arg2: memref<1x256x3xf32, #tpu.memory_space<vmem>>, %arg3: memref<1x3x1024xi32, #tpu.memory_space<vmem>>) attributes {dimension_semantics = [#tpu.dimension_semantics<arbitrary>], iteration_bounds = array<i64: 16>, scalar_prefetch = 0 : i64, scratch_operands = 0 : i64, tpu.core_type = #tpu.core_type<tc>, window_params = [{transform_indices = @transform_0, window_bounds = array<i64: 1, 3, 1024>}, {transform_indices = @transform_1, window_bounds = array<i64: 1, 256, 3>}, {transform_indices = @transform_2, window_bounds = array<i64: 1, 3, 1024>}]} {
    %get3A = arith.constant 0 : index
    %get3A_0 = arith.constant 0 : index
    %get3A_1 = arith.constant 0 : index
    %get3A_2 = vector.load %arg1[%get3A, %get3A_0, %get3A_1] : memref<1x3x1024xf32, #tpu.memory_space<vmem>>, vector<1x3x1024xf32>
    %get3A_3 = vector.shape_cast %get3A_2 : vector<1x3x1024xf32> to vector<3x1024xf32>
    %get3A_4 = arith.constant 0 : index
    %get3A_5 = arith.constant 0 : index
    %get3A_6 = arith.constant 0 : index
    %get3A_7 = vector.load %arg2[%get3A_4, %get3A_5, %get3A_6] : memref<1x256x3xf32, #tpu.memory_space<vmem>>, vector<1x256x3xf32>
    %get3A_8 = vector.shape_cast %get3A_7 : vector<1x256x3xf32> to vector<256x3xf32>
    %broadcast_in_dim3A = arith.constant 0.000000e+00 : f32
    %broadcast_in_dim3A_9 = vector.broadcast %broadcast_in_dim3A : f32 to vector<256x1024xf32>
    %slice3A = vector.extract_strided_slice %get3A_8 {offsets = [0, 0], sizes = [256, 1], strides = [1, 1]} : vector<256x3xf32> to vector<256x1xf32>
    %slice3A_10 = vector.extract_strided_slice %get3A_3 {offsets = [0, 0], sizes = [1, 1024], strides = [1, 1]} : vector<3x1024xf32> to vector<1x1024xf32>
    %sub3A = vector.broadcast %slice3A : vector<256x1xf32> to vector<256x1024xf32>
    %sub3A_11 = vector.broadcast %slice3A_10 : vector<1x1024xf32> to vector<256x1024xf32>
    %sub3A_12 = arith.subf %sub3A, %sub3A_11 : vector<256x1024xf32>
    %mul3A = arith.mulf %sub3A_12, %sub3A_12 : vector<256x1024xf32>
    %add3A = arith.addf %broadcast_in_dim3A_9, %mul3A : vector<256x1024xf32>
    %slice3A_13 = vector.extract_strided_slice %get3A_8 {offsets = [0, 1], sizes = [256, 1], strides = [1, 1]} : vector<256x3xf32> to vector<256x1xf32>
    %slice3A_14 = vector.extract_strided_slice %get3A_3 {offsets = [1, 0], sizes = [1, 1024], strides = [1, 1]} : vector<3x1024xf32> to vector<1x1024xf32>
    %sub3A_15 = vector.broadcast %slice3A_13 : vector<256x1xf32> to vector<256x1024xf32>
    %sub3A_16 = vector.broadcast %slice3A_14 : vector<1x1024xf32> to vector<256x1024xf32>
    %sub3A_17 = arith.subf %sub3A_15, %sub3A_16 : vector<256x1024xf32>
    %mul3A_18 = arith.mulf %sub3A_17, %sub3A_17 : vector<256x1024xf32>
    %add3A_19 = arith.addf %add3A, %mul3A_18 : vector<256x1024xf32>
    %slice3A_20 = vector.extract_strided_slice %get3A_8 {offsets = [0, 2], sizes = [256, 1], strides = [1, 1]} : vector<256x3xf32> to vector<256x1xf32>
    %slice3A_21 = vector.extract_strided_slice %get3A_3 {offsets = [2, 0], sizes = [1, 1024], strides = [1, 1]} : vector<3x1024xf32> to vector<1x1024xf32>
    %sub3A_22 = vector.broadcast %slice3A_20 : vector<256x1xf32> to vector<256x1024xf32>
    %sub3A_23 = vector.broadcast %slice3A_21 : vector<1x1024xf32> to vector<256x1024xf32>
    %sub3A_24 = arith.subf %sub3A_22, %sub3A_23 : vector<256x1024xf32>
    %mul3A_25 = arith.mulf %sub3A_24, %sub3A_24 : vector<256x1024xf32>
    %add3A_26 = arith.addf %add3A_19, %mul3A_25 : vector<256x1024xf32>
    %max3A = arith.constant 0.000000e+00 : f32
    %max3A_27 = vector.broadcast %max3A : f32 to vector<256x1024xf32>
    %max3A_28 = arith.maximumf %add3A_26, %max3A_27 : vector<256x1024xf32>
    %sqrt3A = math.sqrt %max3A_28 : vector<256x1024xf32>
    %iota3A = tpu.iota {dimensions = array<i32: 0>} : vector<256x1024xi32>
    %mul3A_29 = arith.constant 256 : i32
    %mul3A_30 = arith.muli %arg0, %mul3A_29 : i32
    %reduce_min3A = arith.constant dense<0x7F800000> : vector<1024xf32>
    %reduce_min3A_31 = vector.multi_reduction <minimumf>, %sqrt3A, %reduce_min3A [0] : vector<256x1024xf32> to vector<1024xf32>
    %broadcast_in_dim3A_32 = vector.shape_cast %reduce_min3A_31 : vector<1024xf32> to vector<1x1024xf32>
    %eq3A = vector.broadcast %broadcast_in_dim3A_32 : vector<1x1024xf32> to vector<256x1024xf32>
    %eq3A_33 = arith.cmpf oeq, %sqrt3A, %eq3A : vector<256x1024xf32>
    %jit3A = arith.constant 256 : i32
    %broadcast_in_dim3A_34 = vector.broadcast %jit3A : i32 to vector<256x1024xi32>
    %select_n3A = arith.select %eq3A_33, %iota3A, %broadcast_in_dim3A_34 : vector<256x1024xi1>, vector<256x1024xi32>
    %reduce_min3A_35 = arith.constant dense<2147483647> : vector<1024xi32>
    %reduce_min3A_36 = vector.multi_reduction <minsi>, %select_n3A, %reduce_min3A_35 [0] : vector<256x1024xi32> to vector<1024xi32>
    %broadcast_in_dim3A_37 = vector.shape_cast %reduce_min3A_36 : vector<1024xi32> to vector<1x1024xi32>
    %add3A_38 = vector.broadcast %mul3A_30 : i32 to vector<1x1024xi32>
    %add3A_39 = arith.addi %add3A_38, %broadcast_in_dim3A_37 : vector<1x1024xi32>
    %mul3A_40 = arith.constant 3 : i32
    %mul3A_41 = vector.broadcast %mul3A_40 : i32 to vector<1x1024xi32>
    %mul3A_42 = arith.muli %add3A_39, %mul3A_41 : vector<1x1024xi32>
    %add3A_43 = arith.constant 0 : i32
    %add3A_44 = vector.broadcast %add3A_43 : i32 to vector<1x1024xi32>
    %add3A_45 = arith.addi %mul3A_42, %add3A_44 : vector<1x1024xi32>
    %swap3A = arith.constant 0 : index
    %swap3A_46 = arith.constant 0 : index
    %swap3A_47 = arith.constant 0 : index
    %swap3A_48 = vector.load %arg3[%swap3A, %swap3A_46, %swap3A_47] : memref<1x3x1024xi32, #tpu.memory_space<vmem>>, vector<1x1x1024xi32>
    %swap3A_49 = vector.shape_cast %swap3A_48 : vector<1x1x1024xi32> to vector<1x1024xi32>
    %swap3A_50 = vector.shape_cast %add3A_45 : vector<1x1024xi32> to vector<1x1x1024xi32>
    tpu.vector_store %arg3[%swap3A, %swap3A_46, %swap3A_47], %swap3A_50 {strides = array<i32>} : memref<1x3x1024xi32, #tpu.memory_space<vmem>>, vector<1x1x1024xi32>,
    %eq3A_51 = vector.broadcast %broadcast_in_dim3A_37 : vector<1x1024xi32> to vector<256x1024xi32>
    %eq3A_52 = arith.cmpi eq, %iota3A, %eq3A_51 : vector<256x1024xi32>
    %jit3A_53 = arith.constant 0x7F800000 : f32
    %broadcast_in_dim3A_54 = vector.broadcast %jit3A_53 : f32 to vector<256x1024xf32>
    %select_n3A_55 = arith.select %eq3A_52, %broadcast_in_dim3A_54, %sqrt3A : vector<256x1024xi1>, vector<256x1024xf32>
    %reduce_min3A_56 = arith.constant dense<0x7F800000> : vector<1024xf32>
    %reduce_min3A_57 = vector.multi_reduction <minimumf>, %select_n3A_55, %reduce_min3A_56 [0] : vector<256x1024xf32> to vector<1024xf32>
    %broadcast_in_dim3A_58 = vector.shape_cast %reduce_min3A_57 : vector<1024xf32> to vector<1x1024xf32>
    %eq3A_59 = vector.broadcast %broadcast_in_dim3A_58 : vector<1x1024xf32> to vector<256x1024xf32>
    %eq3A_60 = arith.cmpf oeq, %select_n3A_55, %eq3A_59 : vector<256x1024xf32>
    %jit3A_61 = arith.constant 256 : i32
    %broadcast_in_dim3A_62 = vector.broadcast %jit3A_61 : i32 to vector<256x1024xi32>
    %select_n3A_63 = arith.select %eq3A_60, %iota3A, %broadcast_in_dim3A_62 : vector<256x1024xi1>, vector<256x1024xi32>
    %reduce_min3A_64 = arith.constant dense<2147483647> : vector<1024xi32>
    %reduce_min3A_65 = vector.multi_reduction <minsi>, %select_n3A_63, %reduce_min3A_64 [0] : vector<256x1024xi32> to vector<1024xi32>
    %broadcast_in_dim3A_66 = vector.shape_cast %reduce_min3A_65 : vector<1024xi32> to vector<1x1024xi32>
    %add3A_67 = vector.broadcast %mul3A_30 : i32 to vector<1x1024xi32>
    %add3A_68 = arith.addi %add3A_67, %broadcast_in_dim3A_66 : vector<1x1024xi32>
    %mul3A_69 = arith.constant 3 : i32
    %mul3A_70 = vector.broadcast %mul3A_69 : i32 to vector<1x1024xi32>
    %mul3A_71 = arith.muli %add3A_68, %mul3A_70 : vector<1x1024xi32>
    %add3A_72 = arith.constant 1 : i32
    %add3A_73 = vector.broadcast %add3A_72 : i32 to vector<1x1024xi32>
    %add3A_74 = arith.addi %mul3A_71, %add3A_73 : vector<1x1024xi32>
    %swap3A_75 = arith.constant 0 : index
    %swap3A_76 = arith.constant 1 : index
    %swap3A_77 = arith.constant 0 : index
    %swap3A_78 = vector.load %arg3[%swap3A_75, %swap3A_76, %swap3A_77] : memref<1x3x1024xi32, #tpu.memory_space<vmem>>, vector<1x1x1024xi32>
    %swap3A_79 = vector.shape_cast %swap3A_78 : vector<1x1x1024xi32> to vector<1x1024xi32>
    %swap3A_80 = vector.shape_cast %add3A_74 : vector<1x1024xi32> to vector<1x1x1024xi32>
    tpu.vector_store %arg3[%swap3A_75, %swap3A_76, %swap3A_77], %swap3A_80 {strides = array<i32>} : memref<1x3x1024xi32, #tpu.memory_space<vmem>>, vector<1x1x1024xi32>,
    %eq3A_81 = vector.broadcast %broadcast_in_dim3A_66 : vector<1x1024xi32> to vector<256x1024xi32>
    %eq3A_82 = arith.cmpi eq, %iota3A, %eq3A_81 : vector<256x1024xi32>
    %jit3A_83 = arith.constant 0x7F800000 : f32
    %broadcast_in_dim3A_84 = vector.broadcast %jit3A_83 : f32 to vector<256x1024xf32>
    %select_n3A_85 = arith.select %eq3A_82, %broadcast_in_dim3A_84, %select_n3A_55 : vector<256x1024xi1>, vector<256x1024xf32>
    %reduce_min3A_86 = arith.constant dense<0x7F800000> : vector<1024xf32>
    %reduce_min3A_87 = vector.multi_reduction <minimumf>, %select_n3A_85, %reduce_min3A_86 [0] : vector<256x1024xf32> to vector<1024xf32>
    %broadcast_in_dim3A_88 = vector.shape_cast %reduce_min3A_87 : vector<1024xf32> to vector<1x1024xf32>
    %eq3A_89 = vector.broadcast %broadcast_in_dim3A_88 : vector<1x1024xf32> to vector<256x1024xf32>
    %eq3A_90 = arith.cmpf oeq, %select_n3A_85, %eq3A_89 : vector<256x1024xf32>
    %jit3A_91 = arith.constant 256 : i32
    %broadcast_in_dim3A_92 = vector.broadcast %jit3A_91 : i32 to vector<256x1024xi32>
    %select_n3A_93 = arith.select %eq3A_90, %iota3A, %broadcast_in_dim3A_92 : vector<256x1024xi1>, vector<256x1024xi32>
    %reduce_min3A_94 = arith.constant dense<2147483647> : vector<1024xi32>
    %reduce_min3A_95 = vector.multi_reduction <minsi>, %select_n3A_93, %reduce_min3A_94 [0] : vector<256x1024xi32> to vector<1024xi32>
    %broadcast_in_dim3A_96 = vector.shape_cast %reduce_min3A_95 : vector<1024xi32> to vector<1x1024xi32>
    %add3A_97 = vector.broadcast %mul3A_30 : i32 to vector<1x1024xi32>
    %add3A_98 = arith.addi %add3A_97, %broadcast_in_dim3A_96 : vector<1x1024xi32>
    %mul3A_99 = arith.constant 3 : i32
    %mul3A_100 = vector.broadcast %mul3A_99 : i32 to vector<1x1024xi32>
    %mul3A_101 = arith.muli %add3A_98, %mul3A_100 : vector<1x1024xi32>
    %add3A_102 = arith.constant 2 : i32
    %add3A_103 = vector.broadcast %add3A_102 : i32 to vector<1x1024xi32>
    %add3A_104 = arith.addi %mul3A_101, %add3A_103 : vector<1x1024xi32>
    %swap3A_105 = arith.constant 0 : index
    %swap3A_106 = arith.constant 2 : index
    %swap3A_107 = arith.constant 0 : index
    %swap3A_108 = vector.load %arg3[%swap3A_105, %swap3A_106, %swap3A_107] : memref<1x3x1024xi32, #tpu.memory_space<vmem>>, vector<1x1x1024xi32>
    %swap3A_109 = vector.shape_cast %swap3A_108 : vector<1x1x1024xi32> to vector<1x1024xi32>
    %swap3A_110 = vector.shape_cast %add3A_104 : vector<1x1024xi32> to vector<1x1x1024xi32>
    tpu.vector_store %arg3[%swap3A_105, %swap3A_106, %swap3A_107], %swap3A_110 {strides = array<i32>} : memref<1x3x1024xi32, #tpu.memory_space<vmem>>, vector<1x1x1024xi32>,
    return
  }
  func.func @transform_0(%arg0: i32) -> (i32, i32, i32) {
    %c0_i32 = arith.constant 0 : i32
    %c0_i32_0 = arith.constant 0 : i32
    %c0_i32_1 = arith.constant 0 : i32
    return %arg0, %c0_i32, %c0_i32_0 : i32, i32, i32
  }
  func.func @transform_1(%arg0: i32) -> (i32, i32, i32) {
    %c0_i32 = arith.constant 0 : i32
    %c0_i32_0 = arith.constant 0 : i32
    %c0_i32_1 = arith.constant 0 : i32
    return %arg0, %c0_i32, %c0_i32_0 : i32, i32, i32
  }
  func.func @transform_2(%arg0: i32) -> (i32, i32, i32) {
    %c0_i32 = arith.constant 0 : i32
    %c0_i32_0 = arith.constant 0 : i32
    %c0_i32_1 = arith.constant 0 : i32
    return %arg0, %c0_i32, %c0_i32_0 : i32, i32, i32
  }
}

module attributes {stable_mosaic.version = 14 : i64} {
  func.func @_final_body(%arg0: i32, %arg1: memref<512x1280xf32, #tpu.memory_space<vmem>>, %arg2: memref<512x512xf32, #tpu.memory_space<vmem>>, %arg3: memref<256x512xf32, #tpu.memory_space<vmem>>, %arg4: memref<1x512xf32, #tpu.memory_space<vmem>>, %arg5: memref<1x512xf32, #tpu.memory_space<vmem>>, %arg6: memref<1x256xf32, #tpu.memory_space<vmem>>, %arg7: memref<1x256x256xf32, #tpu.memory_space<vmem>>, %arg8: memref<3x1x1024x128xi32, #tpu.memory_space<vmem>>, %arg9: memref<1x256x256xf32, #tpu.memory_space<vmem>>, %arg10: memref<256x256xf32, #tpu.memory_space<vmem>>, %arg11: memref<256x1024xbf16, #tpu.memory_space<vmem>>, %arg12: memref<256x1xf32, #tpu.memory_space<vmem>>) attributes {dimension_semantics = [#tpu.dimension_semantics<arbitrary>], iteration_bounds = array<i64: 16>, scalar_prefetch = 0 : i64, scratch_operands = 3 : i64, tpu.core_type = #tpu.core_type<tc>, window_params = [{pipeline_mode = #tpu.pipeline_mode<synchronous>, transform_indices = @transform_0, window_bounds = array<i64: 512, 1280>}, {pipeline_mode = #tpu.pipeline_mode<synchronous>, transform_indices = @transform_1, window_bounds = array<i64: 512, 512>}, {pipeline_mode = #tpu.pipeline_mode<synchronous>, transform_indices = @transform_2, window_bounds = array<i64: 256, 512>}, {pipeline_mode = #tpu.pipeline_mode<synchronous>, transform_indices = @transform_3, window_bounds = array<i64: 1, 512>}, {pipeline_mode = #tpu.pipeline_mode<synchronous>, transform_indices = @transform_4, window_bounds = array<i64: 1, 512>}, {pipeline_mode = #tpu.pipeline_mode<synchronous>, transform_indices = @transform_5, window_bounds = array<i64: 1, 256>}, {transform_indices = @transform_6, window_bounds = array<i64: 1, 256, 256>}, {transform_indices = @transform_7, window_bounds = array<i64: 3, 1, 1024, 128>}, {transform_indices = @transform_8, window_bounds = array<i64: 1, 256, 256>}]} {
    %eq3A = arith.constant 0 : i32
    %eq3A_0 = arith.cmpi eq, %arg0, %eq3A : i32
    %convert_element_type3A = arith.extui %eq3A_0 : i1 to i32
    %cond3A = arith.constant 0 : i32
    %cond3A_1 = arith.cmpi ne, %convert_element_type3A, %cond3A : i32
    scf.if %cond3A_1 {
      %get3A_83 = arith.constant 0 : index
      %get3A_84 = arith.constant 0 : index
      %get3A_85 = vector.load %arg3[%get3A_83, %get3A_84] : memref<256x512xf32, #tpu.memory_space<vmem>>, vector<256x512xf32>
      %get3A_86 = arith.constant 0 : index
      %get3A_87 = arith.constant 0 : index
      %get3A_88 = vector.load %arg2[%get3A_86, %get3A_87] : memref<512x512xf32, #tpu.memory_space<vmem>>, vector<512x512xf32>
      %dot_general3A_89 = arith.constant dense<0.000000e+00> : vector<256x512xf32>
      %dot_general3A_90 = tpu.matmul %get3A_85, %get3A_88, %dot_general3A_89 {dimension_numbers = #tpu.dot_dimension_numbers<[1], [0], [0], [1], [0, 0, 1, 1], [], []>, transpose_lhs_hint = false} : vector<256x512xf32>, vector<512x512xf32>, vector<256x512xf32> -> vector<256x512xf32>
      %get3A_91 = arith.constant 0 : index
      %get3A_92 = arith.constant 0 : index
      %get3A_93 = vector.load %arg1[%get3A_91, %get3A_92] : memref<512x1280xf32, #tpu.memory_space<vmem>>, vector<512x1280xf32>
      %dot_general3A_94 = arith.constant dense<0.000000e+00> : vector<256x1280xf32>
      %dot_general3A_95 = tpu.matmul %dot_general3A_90, %get3A_93, %dot_general3A_94 {dimension_numbers = #tpu.dot_dimension_numbers<[1], [0], [0], [1], [0, 0, 1, 1], [], []>, transpose_lhs_hint = false} : vector<256x512xf32>, vector<512x1280xf32>, vector<256x1280xf32> -> vector<256x1280xf32>
      %slice3A_96 = vector.extract_strided_slice %dot_general3A_95 {offsets = [0, 0], sizes = [256, 256], strides = [1, 1]} : vector<256x1280xf32> to vector<256x256xf32>
      %swap3A_97 = arith.constant 0 : index
      %swap3A_98 = arith.constant 0 : index
      %swap3A_99 = vector.load %arg10[%swap3A_97, %swap3A_98] : memref<256x256xf32, #tpu.memory_space<vmem>>, vector<256x256xf32>
      tpu.vector_store %arg10[%swap3A_97, %swap3A_98], %slice3A_96 {strides = array<i32>} : memref<256x256xf32, #tpu.memory_space<vmem>>, vector<256x256xf32>,
      %slice3A_100 = vector.extract_strided_slice %dot_general3A_95 {offsets = [0, 256], sizes = [256, 1024], strides = [1, 1]} : vector<256x1280xf32> to vector<256x1024xf32>
      %mul3A = arith.constant 0.333333343 : f32
      %mul3A_101 = vector.broadcast %mul3A : f32 to vector<256x1024xf32>
      %mul3A_102 = arith.mulf %slice3A_100, %mul3A_101 : vector<256x1024xf32>
      %convert_element_type3A_103 = arith.truncf %mul3A_102 : vector<256x1024xf32> to vector<256x1024xbf16>
      %swap3A_104 = arith.constant 0 : index
      %swap3A_105 = arith.constant 0 : index
      %swap3A_106 = vector.load %arg11[%swap3A_104, %swap3A_105] : memref<256x1024xbf16, #tpu.memory_space<vmem>>, vector<256x1024xbf16>
      tpu.vector_store %arg11[%swap3A_104, %swap3A_105], %convert_element_type3A_103 {strides = array<i32>} : memref<256x1024xbf16, #tpu.memory_space<vmem>>, vector<256x1024xbf16>,
      %get3A_107 = arith.constant 0 : index
      %get3A_108 = arith.constant 0 : index
      %get3A_109 = vector.load %arg4[%get3A_107, %get3A_108] : memref<1x512xf32, #tpu.memory_space<vmem>>, vector<1x512xf32>
      %dot_general3A_110 = arith.constant dense<0.000000e+00> : vector<1x256xf32>
      %dot_general3A_111 = tpu.matmul %get3A_109, %dot_general3A_90, %dot_general3A_110 {dimension_numbers = #tpu.dot_dimension_numbers<[1], [1], [0], [0], [0, 0, 1, 0], [], []>, transpose_lhs_hint = false} : vector<1x512xf32>, vector<256x512xf32>, vector<1x256xf32> -> vector<1x256xf32>
      %get3A_112 = arith.constant 0 : index
      %get3A_113 = arith.constant 0 : index
      %get3A_114 = vector.load %arg5[%get3A_112, %get3A_113] : memref<1x512xf32, #tpu.memory_space<vmem>>, vector<1x512xf32>
      %get3A_115 = arith.constant 0 : index
      %get3A_116 = arith.constant 0 : index
      %get3A_117 = vector.load %arg3[%get3A_115, %get3A_116] : memref<256x512xf32, #tpu.memory_space<vmem>>, vector<256x512xf32>
      %dot_general3A_118 = arith.constant dense<0.000000e+00> : vector<1x256xf32>
      %dot_general3A_119 = tpu.matmul %get3A_114, %get3A_117, %dot_general3A_118 {dimension_numbers = #tpu.dot_dimension_numbers<[1], [1], [0], [0], [0, 0, 1, 0], [], []>, transpose_lhs_hint = false} : vector<1x512xf32>, vector<256x512xf32>, vector<1x256xf32> -> vector<1x256xf32>
      %add3A_120 = arith.addf %dot_general3A_111, %dot_general3A_119 : vector<1x256xf32>
      %get3A_121 = arith.constant 0 : index
      %get3A_122 = arith.constant 0 : index
      %get3A_123 = vector.load %arg6[%get3A_121, %get3A_122] : memref<1x256xf32, #tpu.memory_space<vmem>>, vector<1x256xf32>
      %add3A_124 = arith.addf %add3A_120, %get3A_123 : vector<1x256xf32>
      %transpose3A = tpu.transpose %add3A_124, [1, 0] : vector<1x256xf32> -> vector<256x1xf32>
      %swap3A_125 = arith.constant 0 : index
      %swap3A_126 = arith.constant 0 : index
      %swap3A_127 = vector.load %arg12[%swap3A_125, %swap3A_126] : memref<256x1xf32, #tpu.memory_space<vmem>>, vector<256x1xf32>
      tpu.vector_store %arg12[%swap3A_125, %swap3A_126], %transpose3A {strides = array<i32>} : memref<256x1xf32, #tpu.memory_space<vmem>>, vector<256x1xf32>,
    } else {
    }
    %get3A = arith.constant 0 : index
    %get3A_2 = arith.constant 0 : index
    %get3A_3 = arith.constant 0 : index
    %get3A_4 = arith.constant 0 : index
    %get3A_5 = vector.load %arg8[%get3A, %get3A_2, %get3A_3, %get3A_4] : memref<3x1x1024x128xi32, #tpu.memory_space<vmem>>, vector<1x1x1024x128xi32>
    %get3A_6 = vector.shape_cast %get3A_5 : vector<1x1x1024x128xi32> to vector<1024x128xi32>
    %get3A_7 = arith.constant 1 : index
    %get3A_8 = arith.constant 0 : index
    %get3A_9 = arith.constant 0 : index
    %get3A_10 = arith.constant 0 : index
    %get3A_11 = vector.load %arg8[%get3A_7, %get3A_8, %get3A_9, %get3A_10] : memref<3x1x1024x128xi32, #tpu.memory_space<vmem>>, vector<1x1x1024x128xi32>
    %get3A_12 = vector.shape_cast %get3A_11 : vector<1x1x1024x128xi32> to vector<1024x128xi32>
    %get3A_13 = arith.constant 2 : index
    %get3A_14 = arith.constant 0 : index
    %get3A_15 = arith.constant 0 : index
    %get3A_16 = arith.constant 0 : index
    %get3A_17 = vector.load %arg8[%get3A_13, %get3A_14, %get3A_15, %get3A_16] : memref<3x1x1024x128xi32, #tpu.memory_space<vmem>>, vector<1x1x1024x128xi32>
    %get3A_18 = vector.shape_cast %get3A_17 : vector<1x1x1024x128xi32> to vector<1024x128xi32>
    %shift_left3A = arith.constant 16 : i32
    %shift_left3A_19 = vector.broadcast %shift_left3A : i32 to vector<1024x128xi32>
    %shift_left3A_20 = arith.shli %get3A_6, %shift_left3A_19 : vector<1024x128xi32>
    %bitcast_convert_type3A = tpu.bitcast %shift_left3A_20 : vector<1024x128xi32> -> vector<1024x128xf32>
    %shift_left3A_21 = arith.constant 16 : i32
    %shift_left3A_22 = vector.broadcast %shift_left3A_21 : i32 to vector<1024x128xi32>
    %shift_left3A_23 = arith.shli %get3A_12, %shift_left3A_22 : vector<1024x128xi32>
    %bitcast_convert_type3A_24 = tpu.bitcast %shift_left3A_23 : vector<1024x128xi32> -> vector<1024x128xf32>
    %add3A = arith.addf %bitcast_convert_type3A, %bitcast_convert_type3A_24 : vector<1024x128xf32>
    %shift_left3A_25 = arith.constant 16 : i32
    %shift_left3A_26 = vector.broadcast %shift_left3A_25 : i32 to vector<1024x128xi32>
    %shift_left3A_27 = arith.shli %get3A_18, %shift_left3A_26 : vector<1024x128xi32>
    %bitcast_convert_type3A_28 = tpu.bitcast %shift_left3A_27 : vector<1024x128xi32> -> vector<1024x128xf32>
    %add3A_29 = arith.addf %add3A, %bitcast_convert_type3A_28 : vector<1024x128xf32>
    %convert_element_type3A_30 = arith.truncf %add3A_29 : vector<1024x128xf32> to vector<1024x128xbf16>
    %and3A = arith.constant -65536 : i32
    %and3A_31 = vector.broadcast %and3A : i32 to vector<1024x128xi32>
    %and3A_32 = arith.andi %get3A_6, %and3A_31 : vector<1024x128xi32>
    %bitcast_convert_type3A_33 = tpu.bitcast %and3A_32 : vector<1024x128xi32> -> vector<1024x128xf32>
    %and3A_34 = arith.constant -65536 : i32
    %and3A_35 = vector.broadcast %and3A_34 : i32 to vector<1024x128xi32>
    %and3A_36 = arith.andi %get3A_12, %and3A_35 : vector<1024x128xi32>
    %bitcast_convert_type3A_37 = tpu.bitcast %and3A_36 : vector<1024x128xi32> -> vector<1024x128xf32>
    %add3A_38 = arith.addf %bitcast_convert_type3A_33, %bitcast_convert_type3A_37 : vector<1024x128xf32>
    %and3A_39 = arith.constant -65536 : i32
    %and3A_40 = vector.broadcast %and3A_39 : i32 to vector<1024x128xi32>
    %and3A_41 = arith.andi %get3A_18, %and3A_40 : vector<1024x128xi32>
    %bitcast_convert_type3A_42 = tpu.bitcast %and3A_41 : vector<1024x128xi32> -> vector<1024x128xf32>
    %add3A_43 = arith.addf %add3A_38, %bitcast_convert_type3A_42 : vector<1024x128xf32>
    %convert_element_type3A_44 = arith.truncf %add3A_43 : vector<1024x128xf32> to vector<1024x128xbf16>
    %get3A_45 = arith.constant 0 : index
    %get3A_46 = arith.constant 0 : index
    %get3A_47 = vector.load %arg10[%get3A_45, %get3A_46] : memref<256x256xf32, #tpu.memory_space<vmem>>, vector<256x256xf32>
    %get3A_48 = arith.constant 0 : index
    %get3A_49 = arith.constant 0 : index
    %get3A_50 = arith.constant 0 : index
    %get3A_51 = vector.load %arg7[%get3A_48, %get3A_49, %get3A_50] : memref<1x256x256xf32, #tpu.memory_space<vmem>>, vector<1x256x256xf32>
    %get3A_52 = vector.shape_cast %get3A_51 : vector<1x256x256xf32> to vector<256x256xf32>
    %dot_general3A = arith.constant dense<0.000000e+00> : vector<256x256xf32>
    %dot_general3A_53 = tpu.matmul %get3A_47, %get3A_52, %dot_general3A {dimension_numbers = #tpu.dot_dimension_numbers<[1], [0], [0], [1], [0, 0, 1, 1], [], []>, transpose_lhs_hint = false} : vector<256x256xf32>, vector<256x256xf32>, vector<256x256xf32> -> vector<256x256xf32>
    %get3A_54 = arith.constant 0 : index
    %get3A_55 = arith.constant 0 : index
    %get3A_56 = vector.load %arg12[%get3A_54, %get3A_55] : memref<256x1xf32, #tpu.memory_space<vmem>>, vector<256x1xf32>
    %add3A_57 = vector.broadcast %get3A_56 : vector<256x1xf32> to vector<256x256xf32>
    %add3A_58 = arith.addf %dot_general3A_53, %add3A_57 : vector<256x256xf32>
    %slice3A = vector.extract_strided_slice %add3A_58 {offsets = [0, 0], sizes = [256, 128], strides = [1, 1]} : vector<256x256xf32> to vector<256x128xf32>
    %get3A_59 = arith.constant 0 : index
    %get3A_60 = arith.constant 0 : index
    %get3A_61 = vector.load %arg11[%get3A_59, %get3A_60] : memref<256x1024xbf16, #tpu.memory_space<vmem>>, vector<256x1024xbf16>
    %dot_general3A_62 = arith.constant dense<0.000000e+00> : vector<256x128xf32>
    %dot_general3A_63 = tpu.matmul %get3A_61, %convert_element_type3A_30, %dot_general3A_62 {dimension_numbers = #tpu.dot_dimension_numbers<[1], [0], [0], [1], [0, 0, 1, 1], [], []>, transpose_lhs_hint = false} : vector<256x1024xbf16>, vector<1024x128xbf16>, vector<256x128xf32> -> vector<256x128xf32>
    %add3A_64 = arith.addf %slice3A, %dot_general3A_63 : vector<256x128xf32>
    %swap3A = arith.constant 0 : index
    %swap3A_65 = arith.constant 0 : index
    %swap3A_66 = arith.constant 0 : index
    %swap3A_67 = vector.load %arg9[%swap3A, %swap3A_65, %swap3A_66] : memref<1x256x256xf32, #tpu.memory_space<vmem>>, vector<1x256x128xf32>
    %swap3A_68 = vector.shape_cast %swap3A_67 : vector<1x256x128xf32> to vector<256x128xf32>
    %swap3A_69 = vector.shape_cast %add3A_64 : vector<256x128xf32> to vector<1x256x128xf32>
    tpu.vector_store %arg9[%swap3A, %swap3A_65, %swap3A_66], %swap3A_69 {strides = array<i32>} : memref<1x256x256xf32, #tpu.memory_space<vmem>>, vector<1x256x128xf32>,
    %slice3A_70 = vector.extract_strided_slice %add3A_58 {offsets = [0, 128], sizes = [256, 128], strides = [1, 1]} : vector<256x256xf32> to vector<256x128xf32>
    %get3A_71 = arith.constant 0 : index
    %get3A_72 = arith.constant 0 : index
    %get3A_73 = vector.load %arg11[%get3A_71, %get3A_72] : memref<256x1024xbf16, #tpu.memory_space<vmem>>, vector<256x1024xbf16>
    %dot_general3A_74 = arith.constant dense<0.000000e+00> : vector<256x128xf32>
    %dot_general3A_75 = tpu.matmul %get3A_73, %convert_element_type3A_44, %dot_general3A_74 {dimension_numbers = #tpu.dot_dimension_numbers<[1], [0], [0], [1], [0, 0, 1, 1], [], []>, transpose_lhs_hint = false} : vector<256x1024xbf16>, vector<1024x128xbf16>, vector<256x128xf32> -> vector<256x128xf32>
    %add3A_76 = arith.addf %slice3A_70, %dot_general3A_75 : vector<256x128xf32>
    %swap3A_77 = arith.constant 0 : index
    %swap3A_78 = arith.constant 0 : index
    %swap3A_79 = arith.constant 128 : index
    %swap3A_80 = vector.load %arg9[%swap3A_77, %swap3A_78, %swap3A_79] : memref<1x256x256xf32, #tpu.memory_space<vmem>>, vector<1x256x128xf32>
    %swap3A_81 = vector.shape_cast %swap3A_80 : vector<1x256x128xf32> to vector<256x128xf32>
    %swap3A_82 = vector.shape_cast %add3A_76 : vector<256x128xf32> to vector<1x256x128xf32>
    tpu.vector_store %arg9[%swap3A_77, %swap3A_78, %swap3A_79], %swap3A_82 {strides = array<i32>} : memref<1x256x256xf32, #tpu.memory_space<vmem>>, vector<1x256x128xf32>,
    return
  }
  func.func @transform_0(%arg0: i32) -> (i32, i32) {
    %c0_i32 = arith.constant 0 : i32
    %c0_i32_0 = arith.constant 0 : i32
    %c0_i32_1 = arith.constant 0 : i32
    return %c0_i32, %c0_i32_0 : i32, i32
  }
  func.func @transform_1(%arg0: i32) -> (i32, i32) {
    %c0_i32 = arith.constant 0 : i32
    %c0_i32_0 = arith.constant 0 : i32
    %c0_i32_1 = arith.constant 0 : i32
    return %c0_i32, %c0_i32_0 : i32, i32
  }
  func.func @transform_2(%arg0: i32) -> (i32, i32) {
    %c0_i32 = arith.constant 0 : i32
    %c0_i32_0 = arith.constant 0 : i32
    %c0_i32_1 = arith.constant 0 : i32
    return %c0_i32, %c0_i32_0 : i32, i32
  }
  func.func @transform_3(%arg0: i32) -> (i32, i32) {
    %c0_i32 = arith.constant 0 : i32
    %c0_i32_0 = arith.constant 0 : i32
    %c0_i32_1 = arith.constant 0 : i32
    return %c0_i32, %c0_i32_0 : i32, i32
  }
  func.func @transform_4(%arg0: i32) -> (i32, i32) {
    %c0_i32 = arith.constant 0 : i32
    %c0_i32_0 = arith.constant 0 : i32
    %c0_i32_1 = arith.constant 0 : i32
    return %c0_i32, %c0_i32_0 : i32, i32
  }
  func.func @transform_5(%arg0: i32) -> (i32, i32) {
    %c0_i32 = arith.constant 0 : i32
    %c0_i32_0 = arith.constant 0 : i32
    %c0_i32_1 = arith.constant 0 : i32
    return %c0_i32, %c0_i32_0 : i32, i32
  }
  func.func @transform_6(%arg0: i32) -> (i32, i32, i32) {
    %c0_i32 = arith.constant 0 : i32
    %c0_i32_0 = arith.constant 0 : i32
    %c0_i32_1 = arith.constant 0 : i32
    return %arg0, %c0_i32, %c0_i32_0 : i32, i32, i32
  }
  func.func @transform_7(%arg0: i32) -> (i32, i32, i32, i32) {
    %c0_i32 = arith.constant 0 : i32
    %c0_i32_0 = arith.constant 0 : i32
    %c0_i32_1 = arith.constant 0 : i32
    %c0_i32_2 = arith.constant 0 : i32
    return %c0_i32, %arg0, %c0_i32_0, %c0_i32_1 : i32, i32, i32, i32
  }
  func.func @transform_8(%arg0: i32) -> (i32, i32, i32) {
    %c0_i32 = arith.constant 0 : i32
    %c0_i32_0 = arith.constant 0 : i32
    %c0_i32_1 = arith.constant 0 : i32
    return %arg0, %c0_i32, %c0_i32_0 : i32, i32, i32
  }
}

</mosaic_0001>

<sc_bundles>
// kernel: kernel.5.cloned.1.call-start
scs
__scs_entry_jumppad:
0x0: {  	(pc) =	sbr.rel $0x88, $3  }
0x1: {  	(tag) =	ssettag $0x0;
	lr =	simm.s32 $0x1  }
0x2: {  	[smem:$0x3F97] =	sst lr;
	_ =	strace $0xD0000000  }
0x3: {  	_ = 	snop  }
0x4: {  	_ = 	snop  }
0x5: {  	_ = 	snop  }
0x6: {  	_ = 	snop  }
0x7: {  	_ = 	snop  }
__scs_overlays_trampoline_lowered:
0x8: {  	[smem:$0x3FA6] =	sst s0  }
0x9: {  	[smem:$0x3FA7] =	sst s1  }
0xa: {  	[smem:$0x3FA8] =	sst s2  }
0xb: {  	[smem:$0x3FA9] =	sst s3  }
0xc: {  	[smem:$0x3FAA] =	sst s4  }
0xd: {  	[smem:$0x3FAB] =	sst s5  }
0xe: {  	[smem:$0x3FAC] =	sst s6  }
0xf: {  	[smem:$0x3FAD] =	sst s7  }
0x10: {  	[smem:$0x3FAE] =	sst s8  }
0x11: {  	[smem:$0x3FAF] =	sst s9;
	s0 =	simm.s32 @!p0 $0x0  }
0x12: {  	s1 =	sld [smem:$0x3F95];
	s0 =	simm.s32 @p0 $0x1  }
0x13: {  	[smem:$0x3FB0] =	sst s0;
	s0 =	simm.s32 @!p1 $0x0  }
0x14: {  	s2 =	sld [smem:$0x3F94];
	s0 =	simm.s32 @p1 $0x1  }
0x15: {  	[smem:$0x3FB1] =	sst s0;
	s0 =	simm.s32 @!p2 $0x0  }
0x16: {  	s3 =	sld [smem:$0x3FDB];
	s0 =	simm.s32 @p2 $0x1  }
0x17: {  	s4 =	simm.s32 $0x1BF5;
	[smem:$0x3FB3] =	sst s0  }
0x18: {  	s0 =	sld [smem:$0x3F96];
	_ =	swait.ge [sflag:s4], $0x0  }
0x19: {  	s7 =	sld [smem:$0x3F97]  }
0x1a: {  	s8 =	sadd.s32 $0xFFFFE003, lr  }
0x1b: {  	s9 =	sadd.s32 $0xFFFFFEF7, lr;
	s5 =	simm.s32 $0xFFFFFFFF;
	p2 =	slt.u32 s8, $0xFFFFF086  }
0x1c: {  	p1 =	slt.u32 s9, $0xF7A;
	s5 =	simm.s32 @!p2 $0x0  }
0x1d: {  	s5 =	simm.s32 @p1 $0x1;
	p0 =	seq.s32 s7, s2  }
0x1e: {  	s7 =	smul.u32 @!p0 $0xF7A, s2;
	p2 =	seq.s32 @!p0 s5, $0x0  }
0x1f: {  	s9 =	smul.u32 $0xF7A, s1;
	s8 =	simm.s32 @!p0 $0x1BF5;
	p2 =	por !p2, p0  }
0x20: {  	[sflag:s8] =	ssyncset.s32 @!p0 $0xFFFFF086;
	s6 =	sadd.s32 @!p0 s3, s7;
	s7 =	simm.s32 @!p0 $0x108  }
0x21: {  	s3 =	sadd.s32 s3, s9;
	s6 =	sadd.s32 @!p0 $0x88, s6;
	s7 =	simm.s32 @p2 $0x1082  }
0x22: {  	[simem:s7], [sflag:s8] =	dma.local @!p0 [hbm:s6], $0xF7A  }
0x23: {  	s9 =	sor.u32 $0xD0000000, s2;
	s6 =	simm.s32 $0x108;
	_ =	swait.ge @!p0 [sflag:s8], $0x0  }
0x24: {  	s3 =	sadd.s32 $0x88, s3;
	s6 =	simm.s32 @!p1 $0x1082;
	[sflag:s4] =	ssyncset.s32 $0xFFFFF086  }
0x25: {  	[simem:s6], [sflag:s4] =	dma.local [hbm:s3], $0xF7A  }
0x26: {  	[smem:$0x3F97] =	sst s1;
	(tag) =	ssettag s2;
	_ =	strace s9  }
0x27: {  	s1 =	sld [smem:$0x3FA7]  }
0x28: {  	s2 =	sld [smem:$0x3FA8]  }
0x29: {  	s4 =	sld [smem:$0x3FAA]  }
0x2a: {  	p0 =	seq.s32 s5, $0x0;
	s5 =	sld [smem:$0x3FAB]  }
0x2b: {  	s6 =	sld [smem:$0x3FAC]  }
0x2c: {  	s7 =	sld [smem:$0x3FAD]  }
0x2d: {  	s3 =	simm.s32 $0x108;
	s8 =	sld [smem:$0x3FAE]  }
0x2e: {  	s3 =	simm.s32 @!p0 $0x1082;
	s9 =	sld [smem:$0x3FAF]  }
0x2f: {  	lr =	sadd.s32 s0, s3;
	s0 =	sld [smem:$0x3FA6]  }
0x30: {  	s3 =	sld [smem:$0x3FA9]  }
0x31: {  	[smem:$0x3FB2] =	sst s10  }
0x32: {  	s10 =	sld [smem:$0x3FB0];
	_ =	sdelay $0x3  }
0x33: {  	p0 =	seq.s32 s10, $0x1;
	s10 =	sld [smem:$0x3FB2];
	_ =	sdelay $0x3  }
0x34: {  	[smem:$0x3FB2] =	sst s10  }
0x35: {  	s10 =	sld [smem:$0x3FB1];
	_ =	sdelay $0x3  }
0x36: {  	p1 =	seq.s32 s10, $0x1;
	s10 =	sld [smem:$0x3FB2];
	_ =	sdelay $0x3  }
0x37: {  	[smem:$0x3FB2] =	sst s10  }
0x38: {  	s10 =	sld [smem:$0x3FB3]  }
0x39: {  	_ = 	snop;
	(pc) =	sbr.ind lr, $3  }
0x3a: {  	_ = 	snop  }
0x3b: {  	_ = 	snop  }
0x3c: {  	p2 =	seq.s32 s10, $0x1;
	s10 =	sld [smem:$0x3FB2]  }
0x3d: {  	_ =	shalt  }
0x3e: {  	_ =	shalt  }
0x3f: {  	_ =	shalt  }
0x40: {  	_ =	shalt  }
0x41: {  	_ =	shalt  }
0x42: {  	_ =	shalt  }
0x43: {  	_ =	shalt  }
0x44: {  	_ =	shalt  }
0x45: {  	_ =	shalt  }
0x46: {  	_ =	shalt  }
0x47: {  	_ =	shalt  }
0x48: {  	_ =	shalt  }
0x49: {  	_ =	shalt  }
0x4a: {  	_ =	shalt  }
0x4b: {  	_ =	shalt  }
0x4c: {  	_ =	shalt  }
0x4d: {  	_ =	shalt  }
0x4e: {  	_ =	shalt  }
0x4f: {  	_ =	shalt  }
0x50: {  	_ =	shalt  }
0x51: {  	_ =	shalt  }
0x52: {  	_ =	shalt  }
0x53: {  	_ =	shalt  }
0x54: {  	_ =	shalt  }
0x55: {  	_ =	shalt  }
0x56: {  	_ =	shalt  }
0x57: {  	_ =	shalt  }
0x58: {  	_ =	shalt  }
0x59: {  	_ =	shalt  }
0x5a: {  	_ =	shalt  }
0x5b: {  	_ =	shalt  }
0x5c: {  	_ =	shalt  }
0x5d: {  	_ =	shalt  }
0x5e: {  	_ =	shalt  }
0x5f: {  	_ =	shalt  }
0x60: {  	_ =	shalt  }
0x61: {  	_ =	shalt  }
0x62: {  	_ =	shalt  }
0x63: {  	_ =	shalt  }
0x64: {  	_ =	shalt  }
0x65: {  	_ =	shalt  }
0x66: {  	_ =	shalt  }
0x67: {  	_ =	shalt  }
0x68: {  	_ =	shalt  }
0x69: {  	_ =	shalt  }
0x6a: {  	_ =	shalt  }
0x6b: {  	_ =	shalt  }
0x6c: {  	_ =	shalt  }
0x6d: {  	_ =	shalt  }
0x6e: {  	_ =	shalt  }
0x6f: {  	_ =	shalt  }
0x70: {  	_ =	shalt  }
0x71: {  	_ =	shalt  }
0x72: {  	_ =	shalt  }
0x73: {  	_ =	shalt  }
0x74: {  	_ =	shalt  }
0x75: {  	_ =	shalt  }
0x76: {  	_ =	shalt  }
0x77: {  	_ =	shalt  }
0x78: {  	_ =	shalt  }
0x79: {  	_ =	shalt  }
0x7a: {  	_ =	shalt  }
0x7b: {  	_ =	shalt  }
0x7c: {  	_ =	shalt  }
0x7d: {  	_ =	shalt  }
0x7e: {  	_ =	shalt  }
0x7f: {  	_ =	shalt  }
0x80: {  	_ =	shalt  }
0x81: {  	_ =	shalt  }
0x82: {  	_ =	shalt  }
0x83: {  	_ =	shalt  }
0x84: {  	_ =	shalt  }
0x85: {  	_ =	shalt  }
0x86: {  	_ =	shalt  }
0x87: {  	_ =	shalt  }
.Lfunc_end0:
.L_simem_size_0:
called_computation_lowered:
.L_overlay_start_0:
0x88: {  	s2 =	sld [smem:$0x3FD9]  }
0x89: {  	s3 =	sld [smem:$0x3FFE];
	_ =	sdelay $0x1  }
0x8a: {  	s1 =	srdreg.scid  }
0x8b: {  	s0 =	sand.u32 $0x1, s1  }
0x8c: {  	s17 =	sshll.u32 s0, $0xA;
	s2 =	sadd.s32 s3, s2  }
0x8d: {  	s2 =	sadd.s32 s2, s17  }
0x8e: {  	[smem:$0x3FBE] =	sst s2  }
0x8f: {  	_ = 	snop  }
0x90: {  	s2 =	sld [smem:$0x3FD0];
	(tm) =	ssettm $0x1  }
0x91: {  	s18 =	sld [smem:$0x3FFB];
	_ =	sdelay $0x3  }
0x92: {  	_ =	strace s18  }
0x93: {  	s3 =	sld [smem:$0x3FFC];
	_ =	sdelay $0x3  }
0x94: {  	_ =	strace s3  }
0x95: {  	s3 =	sld [smem:$0x3FFD];
	_ =	sdelay $0x3  }
0x96: {  	_ =	strace s3  }
0x97: {  	_ =	strace $0x8FFFFFFF  }
0x98: {  	s19 =	sld [smem:$0x3FDB];
	_ =	sdelay $0x1  }
0x99: {  	s4 =	simm.s32 $_scs_section_size  }
0x9a: {  	s5 =	simm.s32 $_size__tile_overlayer_lowered;
	s6 =	simm.s32 $_tile_overlayer_lowered  }
0x9b: {  	s22 =	simm.s32 $0x1BFF;
	s21 =	sshll.u32 s6, $0x1;
	s3 =	sadd.s32 s4, s19  }
0x9c: {  	s7 =	simm.s32 $0x0;
	s20 =	sshll.u32 s5, $0x1;
	s5 =	sadd.s32 s21, s3  }
0x9d: {  	[timem:s7], [sflag:s22] =	dma.local [hbm:s5], s20  }
0x9e: {  	_ =	swait.ge [sflag:s22], s20  }
0x9f: {  	s4 =	ssub.s32 $0x0, s20;
	[sflag:s22] =	ssyncset.done $0x0  }
0xa0: {  	[sflag:s22] =	ssyncadd.s32 s4;
	_ =	sdelay $0x1  }
0xa1: {  	s23 =	simm.s32 $0x1B8B  }
0xa2: {  	_ =	swait.ge [sflag:s23], $0x1  }
0xa3: {  	[sflag:s23] =	ssyncset.done $0x0  }
0xa4: {  	s25 =	simm.s32 $0x1B8E;
	s24 =	sld [smem:$0x3FFE];
	[sflag:s23] =	ssyncadd.s32 $0xFFFFFFFF  }
0xa5: {  	s26 =	simm.s32 $execute0_lowered;
	[smem:$0x3FD2] =	sst s25  }
0xa6: {  	s5 =	sshll.u32 s26, $0x1;
	_ =	strace $0x80000046;
	[dreg:$0x1] =	wrdreg $0xFFFFFFFF  }
0xa7: {  	s28 =	simm.s32 $_size_execute0_lowered;
	s3 =	sadd.s32 s3, s5;
	[dreg:$0x0] =	wrdreg $0x0  }
0xa8: {  	s5 =	sshll.u32 s28, $0x1;
	[dreg:$0x2] =	wrdreg s3  }
0xa9: {  	[dreg:$0x3] =	wrdreg s5  }
0xaa: {  	[dreg:$0x4] =	wrdreg $0xC0  }
0xab: {  	_ =	task [dreg:s7], $0x5FFFF  }
0xac: {  	[dreg:$0x1] =	wrdreg $0xFFFFFFFF  }
0xad: {  	[dreg:$0x0] =	wrdreg $0x60  }
0xae: {  	[dreg:$0x2] =	wrdreg s24  }
0xaf: {  	[dreg:$0x3] =	wrdreg s2  }
0xb0: {  	[dreg:$0x4] =	wrdreg $0x9  }
0xb1: {  	_ =	task.clear_ibuf [dreg:s7], $0x5FFFF;
	_ =	strace $0x90000046  }
0xb2: {  	s29 =	simm.s32 $0x9;
	_ =	strace $0x80000048  }
0xb3: {  	_ =	swait.ge [sflag:s29], $0x1  }
0xb4: {  	[sflag:s29] =	ssyncadd.s32 $0xFFFFFFFF  }
0xb5: {  	_ =	strace $0x90000048  }
0xb6: {  	_ =	sfence  }
0xb7: {  	s30 =	sld [smem:$0x0];
	_ =	sdelay $0x2  }
0xb8: {  	s31 =	sshll.u32 s1, $0xD;
	s1 =	sshrl.u32 s1, $0x2  }
0xb9: {  	s3 =	sand.u32 $0x4000, s31;
	s1 =	sadd.s32 s1, s30  }
0xba: {  	s0 =	sor.u32 s3, s0;
	s1 =	sshll.u32 s1, $0x11  }
0xbb: {  	s0 =	sor.u32 s1, s0  }
0xbc: {  	s0 =	sadd.s32 $0x8F2B, s0  }
0xbd: {  	[sflag:s0] =	ssyncadd.remote.s32 $0x1  }
0xbe: {  	_ =	sfence.sel $0xFFFF  }
0xbf: {  	[dreg:$0x0] =	wrdreg $0xFFFFFFFF;
	(pc) =	sbr.abs _section_cstart, $3  }
0xc0: {  	[dreg:$0x1] =	wrdreg $0xFFFFFFFF  }
0xc1: {  	_ =	task.clear_ibuf [dreg:s7], $0x2FFFF;
	_ =	strace $0x9FFFFFFF  }
0xc2: {  	(tm) =	ssettm $0x7FFFFFFF  }
0xc3: {  	_ =	shalt  }
tec
execute0_lowered:
.L_overlay_start_1:
0x0: {  	(tag) =	ssettag $0x1  }
0x1: {  	s1 =	srdreg.scid;
	s4 =	rddreg [dreg:$0x0]  }
0x2: {  	s0 =	stileid.u32;
	s5 =	rddreg [dreg:$0x1]  }
0x3: {  	s3 =	simm.s32 $0x1;
	s11 =	simm.s32 $0x80;
	s12 =	simm.s32 $0x200  }
0x4: {  	s13 =	simm.s32 $0x5;
	s15 =	simm.s32 $0x40;
	s16 =	simm.s32 $0x600  }
0x5: {  	s17 =	simm.s32 $0x2600;
	s1 =	sand.u32 $0x1, s1;
	s2 =	sshll.u32 s0, $0x1  }
0x6: {  	s18 =	simm.s32 $0x4600;
	s19 =	simm.s32 $0x6600;
	s2 =	sor.u32 s1, s2  }
0x7: {  	s20 =	simm.s32 $0x8600;
	p1 =	seq.s32 s1, $0x1;
	p0 =	seq.s32 s2, $0x0  }
0x8: {  	s21 =	simm.s32 $0xA600;
	s22 =	simm.s32 $0x2;
	p0 =	por !p0, !p1  }
0x9: {  	s23 =	simm.s32 $0x3;
	s24 =	simm.s32 $0x4;
	p0 =	por !p0, !p0  }
0xa: {  	s25 =	simm.s32 $0x0;
	s28 =	sshll.u32 s0, $0x11;
	s3 =	simm.s32 @!p0 $0x0  }
0xb: {  	s6 =	ssub.s32 $0x2, s1;
	s7 =	sshll.u32 s1, $0xB;
	s3 =	ssub.s32 s0, s3  }
0xc: {  	s1 =	sshll.u32 s1, $0x10;
	s2 =	simm.s32 $0x0;
	s8 =	sshll.u32 s3, $0xC  }
0xd: {  	s9 =	sshrl.u32 s6, $0x1;
	s1 =	sor.u32 s1, s28;
	s7 =	sor.u32 s7, s8  }
0xe: {  	[smem:$0x7FF] =	sst s2;
	s9 =	ssub.s32 s6, s9;
	s26 =	sshrl.u32 s7, $0x3  }
0xf: {  	s6 =	simm.s32 $0x1;
	s31 =	smax.u32 s9, $0x1;
	s5 =	sadd.s32 s5, s26  }
0x10: {  	_ =	strace $0x80000047;
	[dreg:$0x5] =	wrdreg s31;
	s29 =	sadd.s32 $0x10, s5  }
0x11: {  	s10 =	sshrl.u32 s1, $0x3;
	s30 =	sadd.s32 $0x20, s5;
	[dreg:$0x3] =	wrdreg s29  }
0x12: {  	s3 =	sadd.s32 $0x1200, s4;
	s4 =	sadd.s32 $0x31200, s4;
	[dreg:$0x4] =	wrdreg s30  }
.LBB2_1:
0x13: {  	[tilespmem:s2], [sflag:$0x5] =	stream.strided.gather [hbm4b:s5+s11], $0x200, s12, s11, $0x38;
	[tilespmem:$0xC600] =	vst v63  }
0x14: {  	_ =	swait.ge [sflag:s13], $0x200  }
0x15: {  	[sflag:s13] =	ssyncset.done $0x0  }
0x16: {  	s0 =	rddreg [dreg:$0x3];
	[sflag:s13] =	ssyncadd.s32 $0xFFFFFE00  }
0x17: {  	[tilespmem:s12], [sflag:$0x5] =	stream.strided.gather [hbm4b:s0+s11], $0x200, s12, s11, $0x38;
	[tilespmem:$0xC600] =	vst v63  }
0x18: {  	_ =	swait.ge [sflag:s13], $0x200  }
0x19: {  	[sflag:s13] =	ssyncset.done $0x0  }
0x1a: {  	s1 =	simm.s32 $0x400;
	s26 =	rddreg [dreg:$0x4];
	[sflag:s13] =	ssyncadd.s32 $0xFFFFFE00  }
0x1b: {  	[tilespmem:s1], [sflag:$0x5] =	stream.strided.gather [hbm4b:s26+s11], $0x200, s12, s11, $0x38;
	[tilespmem:$0xC600] =	vst v63  }
0x1c: {  	_ =	swait.ge [sflag:s13], $0x200  }
0x1d: {  	[sflag:s13] =	ssyncset.done $0x0  }
0x1e: {  	[sflag:s13] =	ssyncadd.s32 $0xFFFFFE00  }
0x1f: {  	[tilespmem:s16], [sflag:$0x1] =	stream.indirect.gather [hbm4b:s3+s15], $0x80, s2, s15, $0xb8;
	[tilespmem:$0xC600] =	vst v63  }
0x20: {  	p0 =	por $0x1, $0x1  }
0x21: {  	[tilespmem:s17], [sflag:$0x1] =	stream.indirect.gather [hbm4b:s3+s15], $0x80, s12, s15, $0xb8;
	[tilespmem:$0xC600] =	vst v63  }
0x22: {  	p0 =	por p0, p0  }
0x23: {  	[tilespmem:s18], [sflag:$0x1] =	stream.indirect.gather [hbm4b:s3+s15], $0x80, s1, s15, $0xb8;
	[tilespmem:$0xC600] =	vst v63  }
0x24: {  	s1 =	simm.s32 @!p0 $0x4  }
0x25: {  	_ =	swait.ge @!p0 [sflag:s1], $0x2000  }
0x26: {  	[sflag:s1] =	ssyncset.done @!p0 $0x0  }
0x27: {  	[sflag:s1] =	ssyncadd.s32 @!p0 $0xFFFFE000  }
0x28: {  	_ =	swait.ge @!p0 [sflag:s1], $0x2000  }
0x29: {  	[sflag:s1] =	ssyncset.done @!p0 $0x0  }
0x2a: {  	[sflag:s1] =	ssyncadd.s32 @!p0 $0xFFFFE000  }
0x2b: {  	_ =	swait.ge @!p0 [sflag:s1], $0x2000  }
0x2c: {  	[sflag:s1] =	ssyncset.done @!p0 $0x0  }
0x2d: {  	s31 =	simm.s32 $0x40;
	[sflag:s1] =	ssyncadd.s32 @!p0 $0xFFFFE000  }
0x2e: {  	[tilespmem:s19], [sflag:$0x2] =	stream.indirect.gather [hbm4b:s3+s15], $0x80, s31, s15, $0xb8;
	[tilespmem:$0xC600] =	vst v63  }
0x2f: {  	s0 =	simm.s32 $0x240  }
0x30: {  	[tilespmem:s20], [sflag:$0x2] =	stream.indirect.gather [hbm4b:s3+s15], $0x80, s0, s15, $0xb8;
	[tilespmem:$0xC600] =	vst v63  }
0x31: {  	s7 =	simm.s32 $0x440  }
0x32: {  	[tilespmem:s21], [sflag:$0x2] =	stream.indirect.gather [hbm4b:s3+s15], $0x80, s7, s15, $0xb8;
	[tilespmem:$0xC600] =	vst v63  }
0x33: {  	_ =	swait.ge [sflag:s6], $0x2000  }
0x34: {  	[sflag:s6] =	ssyncset.done $0x0  }
0x35: {  	[sflag:s6] =	ssyncadd.s32 $0xFFFFE000  }
0x36: {  	_ =	swait.ge [sflag:s6], $0x2000  }
0x37: {  	[sflag:s6] =	ssyncset.done $0x0  }
0x38: {  	[sflag:s6] =	ssyncadd.s32 $0xFFFFE000  }
0x39: {  	_ =	swait.ge [sflag:s6], $0x2000  }
0x3a: {  	[sflag:s6] =	ssyncset.done $0x0  }
0x3b: {  	s8 =	sadd.s32 s10, s4;
	s26 =	sor.u32 $0x40000, s10;
	[sflag:s6] =	ssyncadd.s32 $0xFFFFE000  }
0x3c: {  	[hbm4b:s8+s2] =	stream.linear.scatter [tilespmem:s16], [sflag:$0x3], $0x2000, $0x38;
	[tilespmem:$0xC600] =	vst v63  }
0x3d: {  	s28 =	sor.u32 $0x80000, s10;
	s26 =	sadd.s32 s4, s26;
	p0 =	por $0x0, $0x0  }
0x3e: {  	[hbm4b:s26+s2] =	stream.linear.scatter [tilespmem:s17], [sflag:$0x3], $0x2000, $0x38;
	[tilespmem:$0xC600] =	vst v63  }
0x3f: {  	s9 =	sadd.s32 s4, s28;
	s26 =	simm.s32 @!p0 $0x3  }
0x40: {  	[hbm4b:s9+s2] =	stream.linear.scatter [tilespmem:s18], [sflag:$0x3], $0x2000, $0x38;
	[tilespmem:$0xC600] =	vst v63  }
0x41: {  	_ =	swait.ge @!p0 [sflag:s26], $0x2000  }
0x42: {  	[sflag:s26] =	ssyncset.done @!p0 $0x0  }
0x43: {  	[sflag:s26] =	ssyncadd.s32 @!p0 $0xFFFFE000  }
0x44: {  	_ =	swait.ge @!p0 [sflag:s26], $0x2000  }
0x45: {  	[sflag:s26] =	ssyncset.done @!p0 $0x0  }
0x46: {  	[sflag:s26] =	ssyncadd.s32 @!p0 $0xFFFFE000  }
0x47: {  	_ =	swait.ge @!p0 [sflag:s26], $0x2000  }
0x48: {  	s28 =	simm.s32 @!p0 $0x80;
	[sflag:s26] =	ssyncset.done @!p0 $0x0  }
0x49: {  	s29 =	simm.s32 @!p0 $0x40;
	s30 =	simm.s32 @!p0 $0x600;
	[sflag:s26] =	ssyncadd.s32 @!p0 $0xFFFFE000  }
0x4a: {  	[tilespmem:s30], [sflag:$0x1] =	stream.indirect.gather @!p0 [hbm4b:s3+s29], $0x80, s28, s29, $0xb8;
	[tilespmem:$0xC600] =	vst v63  }
0x4b: {  	s26 =	simm.s32 @!p0 $0x280;
	s28 =	simm.s32 @!p0 $0x2600  }
0x4c: {  	[tilespmem:s28], [sflag:$0x1] =	stream.indirect.gather @!p0 [hbm4b:s3+s29], $0x80, s26, s29, $0xb8;
	[tilespmem:$0xC600] =	vst v63  }
0x4d: {  	s26 =	simm.s32 @!p0 $0x480;
	s28 =	simm.s32 @!p0 $0x4600  }
0x4e: {  	[tilespmem:s28], [sflag:$0x1] =	stream.indirect.gather @!p0 [hbm4b:s3+s29], $0x80, s26, s29, $0xb8;
	[tilespmem:$0xC600] =	vst v63  }
0x4f: {  	_ =	swait.ge [sflag:s22], $0x2000  }
0x50: {  	[sflag:s22] =	ssyncset.done $0x0  }
0x51: {  	[sflag:s22] =	ssyncadd.s32 $0xFFFFE000  }
0x52: {  	_ =	swait.ge [sflag:s22], $0x2000  }
0x53: {  	[sflag:s22] =	ssyncset.done $0x0  }
0x54: {  	s14 =	sor.u32 $0x40400, s10;
	[sflag:s22] =	ssyncadd.s32 $0xFFFFE000  }
0x55: {  	p6 =	por $0x0, $0x0;
	s1 =	sadd.s32 $0x400, s8;
	_ =	swait.ge [sflag:s22], $0x2000  }
0x56: {  	s31 =	sadd.s32 s4, s14;
	s30 =	sor.u32 $0x80400, s10;
	[sflag:s22] =	ssyncset.done $0x0  }
0x57: {  	s28 =	simm.s32 $0x200;
	p0 =	por p6, p6;
	[sflag:s22] =	ssyncadd.s32 $0xFFFFE000  }
0x58: {  	[hbm4b:s1+s2] =	stream.linear.scatter [tilespmem:s19], [sflag:$0x4], $0x2000, $0x38;
	[tilespmem:$0xC600] =	vst v63  }
0x59: {  	s29 =	simm.s32 $0x400;
	s26 =	sadd.s32 $0x800, s10;
	s1 =	simm.s32 @!p0 $0x4  }
0x5a: {  	[hbm4b:s31+s2] =	stream.linear.scatter [tilespmem:s20], [sflag:$0x4], $0x2000, $0x38;
	[tilespmem:$0xC600] =	vst v63  }
.LBB2_2:
0x5b: {  	p2 =	seq.s32 s29, $0x0;
	s0 =	sadd.s32 s4, s30  }
0x5c: {  	s31 =	smov.u32 s29;
	s29 =	sadd.s32 $0x200, s29;
	s30 =	smov.u32 s26  }
0x5d: {  	[hbm4b:s0+s2] =	stream.linear.scatter [tilespmem:s21], [sflag:$0x4], $0x2000, $0x38;
	[tilespmem:$0xC600] =	vst v63  }
0x5e: {  	p1 =	sne.s32 s29, $0x800;
	_ =	swait.ge @!p0 [sflag:s1], $0x2000  }
0x5f: {  	[sflag:s1] =	ssyncset.done @!p0 $0x0  }
0x60: {  	[sflag:s1] =	ssyncadd.s32 @!p0 $0xFFFFE000  }
0x61: {  	_ =	swait.ge @!p0 [sflag:s1], $0x2000  }
0x62: {  	[sflag:s1] =	ssyncset.done @!p0 $0x0  }
0x63: {  	[sflag:s1] =	ssyncadd.s32 @!p0 $0xFFFFE000  }
0x64: {  	_ =	swait.ge @!p0 [sflag:s1], $0x2000  }
0x65: {  	s0 =	sshra.s32 s28, $0x2;
	[sflag:s1] =	ssyncset.done @!p0 $0x0  }
0x66: {  	[sflag:s1] =	ssyncadd.s32 @!p0 $0xFFFFE000;
	s1 =	sadd.s32 $0x40, s0;
	p0 =	por p2, p2  }
0x67: {  	[tilespmem:s19], [sflag:$0x2] =	stream.indirect.gather [hbm4b:s3+s15], $0x80, s1, s15, $0xb8;
	[tilespmem:$0xC600] =	vst v63  }
0x68: {  	s1 =	sadd.s32 $0x240, s0  }
0x69: {  	[tilespmem:s20], [sflag:$0x2] =	stream.indirect.gather [hbm4b:s3+s15], $0x80, s1, s15, $0xb8;
	[tilespmem:$0xC600] =	vst v63  }
0x6a: {  	s0 =	sadd.s32 $0x440, s0  }
0x6b: {  	[tilespmem:s21], [sflag:$0x2] =	stream.indirect.gather [hbm4b:s3+s15], $0x80, s0, s15, $0xb8;
	[tilespmem:$0xC600] =	vst v63  }
0x6c: {  	_ =	swait.ge [sflag:s6], $0x2000  }
0x6d: {  	[sflag:s6] =	ssyncset.done $0x0  }
0x6e: {  	[sflag:s6] =	ssyncadd.s32 $0xFFFFE000  }
0x6f: {  	_ =	swait.ge [sflag:s6], $0x2000  }
0x70: {  	[sflag:s6] =	ssyncset.done $0x0  }
0x71: {  	[sflag:s6] =	ssyncadd.s32 $0xFFFFE000  }
0x72: {  	_ =	swait.ge [sflag:s6], $0x2000  }
0x73: {  	[sflag:s6] =	ssyncset.done $0x0  }
0x74: {  	s1 =	sadd.s32 s26, s4;
	s0 =	sor.u32 $0x40000, s26;
	[sflag:s6] =	ssyncadd.s32 $0xFFFFE000  }
0x75: {  	[hbm4b:s1+s2] =	stream.linear.scatter [tilespmem:s16], [sflag:$0x3], $0x2000, $0x38;
	[tilespmem:$0xC600] =	vst v63  }
0x76: {  	s7 =	sor.u32 $0x80000, s26;
	s0 =	sadd.s32 s4, s0  }
0x77: {  	[hbm4b:s0+s2] =	stream.linear.scatter [tilespmem:s17], [sflag:$0x3], $0x2000, $0x38;
	[tilespmem:$0xC600] =	vst v63  }
0x78: {  	p2 =	seq.s32 s28, $0x600;
	s0 =	sadd.s32 s4, s7  }
0x79: {  	[hbm4b:s0+s2] =	stream.linear.scatter [tilespmem:s18], [sflag:$0x3], $0x2000, $0x38;
	[tilespmem:$0xC600] =	vst v63  }
0x7a: {  	s7 =	sshra.s32 @!p2 s28, $0x2;
	s28 =	smov.u32 s31;
	s0 =	simm.s32 @!p2 $0x3  }
0x7b: {  	s31 =	sadd.s32 @!p2 $0x80, s7;
	s8 =	sadd.s32 @!p2 $0x280, s7;
	_ =	swait.ge @!p2 [sflag:s0], $0x2000  }
0x7c: {  	s7 =	sadd.s32 @!p2 $0x480, s7;
	[sflag:s0] =	ssyncset.done @!p2 $0x0  }
0x7d: {  	[sflag:s0] =	ssyncadd.s32 @!p2 $0xFFFFE000  }
0x7e: {  	_ =	swait.ge @!p2 [sflag:s0], $0x2000  }
0x7f: {  	[sflag:s0] =	ssyncset.done @!p2 $0x0  }
0x80: {  	[sflag:s0] =	ssyncadd.s32 @!p2 $0xFFFFE000  }
0x81: {  	_ =	swait.ge @!p2 [sflag:s0], $0x2000  }
0x82: {  	s14 =	simm.s32 @!p2 $0x40;
	s9 =	simm.s32 @!p2 $0x600;
	[sflag:s0] =	ssyncset.done @!p2 $0x0  }
0x83: {  	[sflag:s0] =	ssyncadd.s32 @!p2 $0xFFFFE000;
	s0 =	simm.s32 @!p2 $0x2600  }
0x84: {  	[tilespmem:s9], [sflag:$0x1] =	stream.indirect.gather @!p2 [hbm4b:s3+s14], $0x80, s31, s14, $0xb8;
	[tilespmem:$0xC600] =	vst v63  }
0x85: {  	s9 =	simm.s32 @!p2 $0x4600  }
0x86: {  	[tilespmem:s0], [sflag:$0x1] =	stream.indirect.gather @!p2 [hbm4b:s3+s14], $0x80, s8, s14, $0xb8;
	[tilespmem:$0xC600] =	vst v63  }
0x87: {  	_ = 	snop  }
0x88: {  	[tilespmem:s9], [sflag:$0x1] =	stream.indirect.gather @!p2 [hbm4b:s3+s14], $0x80, s7, s14, $0xb8;
	[tilespmem:$0xC600] =	vst v63  }
0x89: {  	_ =	swait.ge [sflag:s22], $0x2000  }
0x8a: {  	[sflag:s22] =	ssyncset.done $0x0  }
0x8b: {  	[sflag:s22] =	ssyncadd.s32 $0xFFFFE000  }
0x8c: {  	_ =	swait.ge [sflag:s22], $0x2000  }
0x8d: {  	[sflag:s22] =	ssyncset.done $0x0  }
0x8e: {  	[sflag:s22] =	ssyncadd.s32 $0xFFFFE000  }
0x8f: {  	_ =	swait.ge [sflag:s22], $0x2000  }
.Ltmp0:
0x90: {  	s0 =	sadd.s32 $0x400, s1;
	[sflag:s22] =	ssyncset.done $0x0;
	(pc) =	sbr.rel @p1 .LBB2_2-.Ltmp0, $4  }
0x91: {  	s26 =	sadd.s32 $0x800, s26;
	s7 =	sor.u32 $0x40400, s30;
	[sflag:s22] =	ssyncadd.s32 $0xFFFFE000  }
0x92: {  	[hbm4b:s0+s2] =	stream.linear.scatter [tilespmem:s19], [sflag:$0x4], $0x2000, $0x38;
	[tilespmem:$0xC600] =	vst v63  }
0x93: {  	s1 =	simm.s32 @!p0 $0x4;
	s30 =	sor.u32 $0x80400, s30;
	s0 =	sadd.s32 s4, s7  }
0x94: {  	[hbm4b:s0+s2] =	stream.linear.scatter [tilespmem:s20], [sflag:$0x4], $0x2000, $0x38;
	[tilespmem:$0xC600] =	vst v63  }
0x95: {  	s0 =	sadd.s32 s4, s30  }
0x96: {  	[hbm4b:s0+s2] =	stream.linear.scatter [tilespmem:s21], [sflag:$0x4], $0x2000, $0x38;
	[tilespmem:$0xC600] =	vst v63  }
0x97: {  	_ =	swait.ge @!p0 [sflag:s1], $0x2000  }
0x98: {  	[sflag:s1] =	ssyncset.done @!p0 $0x0  }
0x99: {  	[sflag:s1] =	ssyncadd.s32 @!p0 $0xFFFFE000  }
0x9a: {  	_ =	swait.ge @!p0 [sflag:s1], $0x2000  }
0x9b: {  	[sflag:s1] =	ssyncset.done @!p0 $0x0  }
0x9c: {  	[sflag:s1] =	ssyncadd.s32 @!p0 $0xFFFFE000  }
0x9d: {  	_ =	swait.ge @!p0 [sflag:s1], $0x2000  }
0x9e: {  	s14 =	sshra.s32 s28, $0x2;
	[sflag:s1] =	ssyncset.done @!p0 $0x0  }
0x9f: {  	s29 =	sadd.s32 $0x40, s14;
	[sflag:s1] =	ssyncadd.s32 @!p0 $0xFFFFE000  }
0xa0: {  	[tilespmem:s19], [sflag:$0x2] =	stream.indirect.gather [hbm4b:s3+s15], $0x80, s29, s15, $0xb8;
	[tilespmem:$0xC600] =	vst v63  }
0xa1: {  	s30 =	sadd.s32 $0x240, s14  }
0xa2: {  	[tilespmem:s20], [sflag:$0x2] =	stream.indirect.gather [hbm4b:s3+s15], $0x80, s30, s15, $0xb8;
	[tilespmem:$0xC600] =	vst v63  }
0xa3: {  	s0 =	sadd.s32 $0x440, s14  }
0xa4: {  	[tilespmem:s21], [sflag:$0x2] =	stream.indirect.gather [hbm4b:s3+s15], $0x80, s0, s15, $0xb8;
	[tilespmem:$0xC600] =	vst v63  }
0xa5: {  	_ =	swait.ge [sflag:s6], $0x2000  }
0xa6: {  	[sflag:s6] =	ssyncset.done $0x0  }
0xa7: {  	[sflag:s6] =	ssyncadd.s32 $0xFFFFE000  }
0xa8: {  	_ =	swait.ge [sflag:s6], $0x2000  }
0xa9: {  	[sflag:s6] =	ssyncset.done $0x0  }
0xaa: {  	[sflag:s6] =	ssyncadd.s32 $0xFFFFE000  }
0xab: {  	_ =	swait.ge [sflag:s6], $0x2000  }
0xac: {  	[sflag:s6] =	ssyncset.done $0x0  }
0xad: {  	s31 =	sadd.s32 s26, s4;
	s8 =	sor.u32 $0x40000, s26;
	[sflag:s6] =	ssyncadd.s32 $0xFFFFE000  }
0xae: {  	[hbm4b:s31+s2] =	stream.linear.scatter [tilespmem:s16], [sflag:$0x3], $0x2000, $0x38;
	[tilespmem:$0xC600] =	vst v63  }
0xaf: {  	s7 =	sor.u32 $0x80000, s26;
	s1 =	sadd.s32 s4, s8;
	p0 =	seq.s32 s28, $0x600  }
0xb0: {  	[hbm4b:s1+s2] =	stream.linear.scatter [tilespmem:s17], [sflag:$0x3], $0x2000, $0x38;
	[tilespmem:$0xC600] =	vst v63  }
0xb1: {  	s9 =	sadd.s32 s4, s7;
	s1 =	simm.s32 @!p0 $0x3  }
0xb2: {  	[hbm4b:s9+s2] =	stream.linear.scatter [tilespmem:s18], [sflag:$0x3], $0x2000, $0x38;
	[tilespmem:$0xC600] =	vst v63  }
0xb3: {  	_ =	swait.ge @!p0 [sflag:s1], $0x2000  }
0xb4: {  	[sflag:s1] =	ssyncset.done @!p0 $0x0  }
0xb5: {  	[sflag:s1] =	ssyncadd.s32 @!p0 $0xFFFFE000  }
0xb6: {  	_ =	swait.ge @!p0 [sflag:s1], $0x2000  }
0xb7: {  	[sflag:s1] =	ssyncset.done @!p0 $0x0  }
0xb8: {  	[sflag:s1] =	ssyncadd.s32 @!p0 $0xFFFFE000  }
0xb9: {  	_ =	swait.ge @!p0 [sflag:s1], $0x2000  }
0xba: {  	s7 =	sshra.s32 @!p0 s28, $0x2;
	s14 =	simm.s32 @!p0 $0x600;
	[sflag:s1] =	ssyncset.done @!p0 $0x0  }
0xbb: {  	s8 =	sadd.s32 @!p0 $0x80, s7;
	s9 =	simm.s32 @!p0 $0x40;
	[sflag:s1] =	ssyncadd.s32 @!p0 $0xFFFFE000  }
0xbc: {  	[tilespmem:s14], [sflag:$0x1] =	stream.indirect.gather @!p0 [hbm4b:s3+s9], $0x80, s8, s9, $0xb8;
	[tilespmem:$0xC600] =	vst v63  }
0xbd: {  	s1 =	sadd.s32 @!p0 $0x280, s7;
	s8 =	simm.s32 @!p0 $0x2600  }
0xbe: {  	[tilespmem:s8], [sflag:$0x1] =	stream.indirect.gather @!p0 [hbm4b:s3+s9], $0x80, s1, s9, $0xb8;
	[tilespmem:$0xC600] =	vst v63  }
0xbf: {  	s1 =	sadd.s32 @!p0 $0x480, s7;
	s7 =	simm.s32 @!p0 $0x4600  }
0xc0: {  	[tilespmem:s7], [sflag:$0x1] =	stream.indirect.gather @!p0 [hbm4b:s3+s9], $0x80, s1, s9, $0xb8;
	[tilespmem:$0xC600] =	vst v63  }
0xc1: {  	_ =	swait.ge [sflag:s22], $0x2000  }
0xc2: {  	[sflag:s22] =	ssyncset.done $0x0  }
0xc3: {  	[sflag:s22] =	ssyncadd.s32 $0xFFFFE000  }
0xc4: {  	_ =	swait.ge [sflag:s22], $0x2000  }
0xc5: {  	[sflag:s22] =	ssyncset.done $0x0  }
0xc6: {  	[sflag:s22] =	ssyncadd.s32 $0xFFFFE000  }
0xc7: {  	_ =	swait.ge [sflag:s22], $0x2000  }
0xc8: {  	[sflag:s22] =	ssyncset.done $0x0  }
0xc9: {  	s0 =	sadd.s32 $0x400, s31;
	s14 =	sor.u32 $0x40400, s26;
	[sflag:s22] =	ssyncadd.s32 $0xFFFFE000  }
0xca: {  	[hbm4b:s0+s2] =	stream.linear.scatter [tilespmem:s19], [sflag:$0x4], $0x2000, $0x38;
	[tilespmem:$0xC600] =	vst v63  }
0xcb: {  	s29 =	sor.u32 $0x80400, s26;
	s28 =	sadd.s32 s4, s14  }
0xcc: {  	[hbm4b:s28+s2] =	stream.linear.scatter [tilespmem:s20], [sflag:$0x4], $0x2000, $0x38;
	[tilespmem:$0xC600] =	vst v63  }
0xcd: {  	s30 =	sadd.s32 s4, s29  }
0xce: {  	[hbm4b:s30+s2] =	stream.linear.scatter [tilespmem:s21], [sflag:$0x4], $0x2000, $0x38;
	[tilespmem:$0xC600] =	vst v63  }
0xcf: {  	_ =	swait.ge [sflag:s23], $0x2000  }
0xd0: {  	[sflag:s23] =	ssyncset.done $0x0  }
0xd1: {  	[sflag:s23] =	ssyncadd.s32 $0xFFFFE000  }
0xd2: {  	_ =	swait.ge [sflag:s23], $0x2000  }
0xd3: {  	[sflag:s23] =	ssyncset.done $0x0  }
0xd4: {  	[sflag:s23] =	ssyncadd.s32 $0xFFFFE000  }
0xd5: {  	_ =	swait.ge [sflag:s23], $0x2000  }
0xd6: {  	[sflag:s23] =	ssyncset.done $0x0  }
0xd7: {  	[sflag:s23] =	ssyncadd.s32 $0xFFFFE000  }
0xd8: {  	_ =	swait.ge [sflag:s24], $0x2000  }
0xd9: {  	[sflag:s24] =	ssyncset.done $0x0  }
0xda: {  	[sflag:s24] =	ssyncadd.s32 $0xFFFFE000  }
0xdb: {  	_ =	swait.ge [sflag:s24], $0x2000  }
0xdc: {  	[sflag:s24] =	ssyncset.done $0x0  }
0xdd: {  	[sflag:s24] =	ssyncadd.s32 $0xFFFFE000  }
0xde: {  	_ =	swait.ge [sflag:s24], $0x2000  }
0xdf: {  	s25 =	sadd.s32 $0x1, s25;
	s31 =	rddreg [dreg:$0x5]  }
0xe0: {  	p0 =	sne.s32 s25, s31  }
.Ltmp1:
0xe1: {  	_ = 	snop;
	(pc) =	sbr.rel @p0 .LBB2_1-.Ltmp1, $3  }
0xe2: {  	_ =	sdelay $0x1  }
0xe3: {  	[sflag:s24] =	ssyncset.done $0x0  }
0xe4: {  	[sflag:s24] =	ssyncadd.s32 $0xFFFFE000  }
0xe5: {  	_ =	sfence.sel $0x180000  }
0xe6: {  	[bflag:$0x0] =	sbarrier.arrive $0xFFFF  }
0xe7: {  	_ =	strace $0x90000047  }
0xe8: {  	s0 =	stileid.u32;
	[bflag:$0x2] =	sbarrier.arrive $0xFFFF  }
0xe9: {  	p0 =	sne.s32 s0, $0x0;
	s0 =	rddreg [dreg:$0x2]  }
0xea: {  	s0 =	sadd.s32 @!p0 $0x100000, s0  }
0xeb: {  	[sflag:s0] =	ssyncadd.tile.s32 @!p0 $0x1;
	_ =	shalt  }
.Lfunc_end2:
_tile_overlayer_lowered:
.L_overlay_start_2:
0xec: {  	(tag) =	ssettag $0x2  }
0xed: {  	s0 =	rddreg [dreg:$0x0];
	s2 =	stileid.u32  }
0xee: {  	s1 =	rddreg [dreg:$0x1];
	p0 =	sne.s32 s2, $0x0  }
0xef: {  	s3 =	rddreg [dreg:$0x2];
	[bflag:$0x3] =	sbarrier.arrive $0xFFFF;
	s2 =	simm.s32 @!p0 $0x1C05  }
0xf0: {  	[timem:s3], [sflag:s2] =	dma.local @!p0 [hbm:s0], s1  }
0xf1: {  	s0 =	simm.s32 @!p0 $0x5  }
0xf2: {  	_ =	swait.ge @!p0 [sflag:s0], s1  }
0xf3: {  	s1 =	ssub.s32 @!p0 $0x0, s1;
	[sflag:s0] =	ssyncset.done @!p0 $0x0  }
0xf4: {  	[sflag:s0] =	ssyncadd.s32 @!p0 s1  }
0xf5: {  	[bflag:$0x3] =	sbarrier.arrive $0xFFFF  }
0xf6: {  	_ =	shalt  }

</sc_bundles>
